<compile_context>
chip_gen: v7x
topology: tpu7x:2x2x1
jax: 0.10.2.dev20260603
libtpu: 0.0.44.dev20260713+nightly
codegen_flags: <defaults>
</compile_context>

<pallas_src>
import functools

import jax
import jax.numpy as jnp
from jax import lax
from jax.experimental import pallas as pl
from jax.experimental.pallas import tpu as pltpu
from jax.experimental.pallas import tpu_sc as plsc

N = 10000
E = 320000
D = 128
L = 3

NC = 2
NS = 16
NW = NC * NS
CH = 128
NCHUNK = (E + NW * CH - 1) // (NW * CH)
EPAD = NW * CH * NCHUNK
NPAD = 10240
RPS = NPAD // NS

_DOT_PREC = lax.Precision.DEFAULT


def _segment_sum_sc(h, src_r, dst_r, zrows):
    mesh = plsc.VectorSubcoreMesh(core_axis_name="c", subcore_axis_name="s")

    @functools.partial(
        pl.kernel,
        mesh=mesh,
        out_type=jax.ShapeDtypeStruct((NC, NPAD, D), jnp.float32),
        scratch_types=[
            pltpu.VMEM((NCHUNK, CH), jnp.int32),
            pltpu.VMEM((NCHUNK, CH), jnp.int32),
            pltpu.VMEM((CH, D), jnp.float32),
            pltpu.VMEM_SHARED((NPAD, D), jnp.float32),
        ],
    )
    def segsum(h_hbm, src_hbm, dst_hbm, z_hbm, out_hbm, srcv, dstv, rows, acc):
        c = lax.axis_index("c")
        s = lax.axis_index("s")
        wid = s * NC + c
        pltpu.sync_copy(z_hbm, acc.at[pl.ds(s * RPS, RPS)])
        pltpu.sync_copy(src_hbm.at[wid], srcv)
        pltpu.sync_copy(dst_hbm.at[wid], dstv)
        plsc.subcore_barrier()

        @pl.loop(0, NCHUNK)
        def _(j):
            pltpu.sync_copy(h_hbm.at[srcv.at[j]], rows)
            pltpu.sync_copy(rows, acc.at[dstv.at[j]], add=True)

        plsc.subcore_barrier()
        pltpu.sync_copy(acc.at[pl.ds(s * RPS, RPS)],
                        out_hbm.at[c, pl.ds(s * RPS, RPS)])

    return segsum(h, src_r, dst_r, zrows)


_BLK = 1000
_GRID = N // _BLK


def _mlp_body(h_ref, agg_ref, w1_ref, b1_ref, w2_ref, b2_ref,
              a_ref, sum_ref, sq_ref):
    z = h_ref[...] + agg_ref[0] + agg_ref[1]
    y = lax.dot_general(z, w1_ref[...], (((1,), (0,)), ((), ())),
                        precision=_DOT_PREC,
                        preferred_element_type=jnp.float32) + b1_ref[...]
    y = jnp.maximum(y, 0.0)
    y = lax.dot_general(y, w2_ref[...], (((1,), (0,)), ((), ())),
                        precision=_DOT_PREC,
                        preferred_element_type=jnp.float32) + b2_ref[...]
    a = jnp.maximum(y, 0.0)
    a_ref[...] = a

    @pl.when(pl.program_id(0) == 0)
    def _():
        sum_ref[...] = jnp.zeros_like(sum_ref)
        sq_ref[...] = jnp.zeros_like(sq_ref)

    sum_ref[...] += jnp.sum(a, axis=0, keepdims=True)
    sq_ref[...] += jnp.sum(a * a, axis=0, keepdims=True)


def _mlp_layer(h, agg, w1, b1, w2, b2):
    out_shapes = (
        jax.ShapeDtypeStruct((N, D), jnp.float32),
        jax.ShapeDtypeStruct((1, D), jnp.float32),
        jax.ShapeDtypeStruct((1, D), jnp.float32),
    )
    full = lambda i: (0, 0)
    return pl.pallas_call(
        _mlp_body,
        grid=(_GRID,),
        in_specs=[
            pl.BlockSpec((_BLK, D), lambda i: (i, 0)),
            pl.BlockSpec((NC, _BLK, D), lambda i: (0, i, 0)),
            pl.BlockSpec((D, D), full),
            pl.BlockSpec((1, D), full),
            pl.BlockSpec((D, D), full),
            pl.BlockSpec((1, D), full),
        ],
        out_specs=(
            pl.BlockSpec((_BLK, D), lambda i: (i, 0)),
            pl.BlockSpec((1, D), full),
            pl.BlockSpec((1, D), full),
        ),
        out_shape=out_shapes,
    )(h, agg, w1, b1.reshape(1, D), w2, b2.reshape(1, D))


def _bn_body(a_ref, sum_ref, sq_ref, g_ref, b_ref, out_ref):
    inv_n = jnp.float32(1.0 / N)
    mean = sum_ref[...] * inv_n
    var = sq_ref[...] * inv_n - mean * mean
    scale = g_ref[...] * lax.rsqrt(var + 1e-5)
    out_ref[...] = a_ref[...] * scale + (b_ref[...] - mean * scale)


def _bn_apply(a, colsum, colsq, g, b):
    full = lambda i: (0, 0)
    return pl.pallas_call(
        _bn_body,
        grid=(_GRID,),
        in_specs=[
            pl.BlockSpec((_BLK, D), lambda i: (i, 0)),
            pl.BlockSpec((1, D), full),
            pl.BlockSpec((1, D), full),
            pl.BlockSpec((1, D), full),
            pl.BlockSpec((1, D), full),
        ],
        out_specs=pl.BlockSpec((_BLK, D), lambda i: (i, 0)),
        out_shape=jax.ShapeDtypeStruct((N, D), jnp.float32),
    )(a, colsum, colsq, g.reshape(1, D), b.reshape(1, D))


def _head_body(h_ref, muw_ref, mub_ref, lvw_ref, lvb_ref,
               amu_ref, alv_ref, smu_ref, qmu_ref, slv_ref, qlv_ref):
    h = h_ref[...]
    ymu = lax.dot_general(h, muw_ref[...], (((1,), (0,)), ((), ())),
                          precision=_DOT_PREC,
                          preferred_element_type=jnp.float32) + mub_ref[...]
    ymu = jnp.maximum(ymu, 0.0)
    ylv = lax.dot_general(h, lvw_ref[...], (((1,), (0,)), ((), ())),
                          precision=_DOT_PREC,
                          preferred_element_type=jnp.float32) + lvb_ref[...]
    ylv = jnp.maximum(ylv, 0.0)
    amu_ref[...] = ymu
    alv_ref[...] = ylv

    @pl.when(pl.program_id(0) == 0)
    def _():
        smu_ref[...] = jnp.zeros_like(smu_ref)
        qmu_ref[...] = jnp.zeros_like(qmu_ref)
        slv_ref[...] = jnp.zeros_like(slv_ref)
        qlv_ref[...] = jnp.zeros_like(qlv_ref)

    smu_ref[...] += jnp.sum(ymu, axis=0, keepdims=True)
    qmu_ref[...] += jnp.sum(ymu * ymu, axis=0, keepdims=True)
    slv_ref[...] += jnp.sum(ylv, axis=0, keepdims=True)
    qlv_ref[...] += jnp.sum(ylv * ylv, axis=0, keepdims=True)


def _heads(h, muW, mub, lvW, lvb):
    full = lambda i: (0, 0)
    row = pl.BlockSpec((_BLK, D), lambda i: (i, 0))
    stat = pl.BlockSpec((1, D), full)
    return pl.pallas_call(
        _head_body,
        grid=(_GRID,),
        in_specs=[row, pl.BlockSpec((D, D), full), stat,
                  pl.BlockSpec((D, D), full), stat],
        out_specs=(row, row, stat, stat, stat, stat),
        out_shape=(
            jax.ShapeDtypeStruct((N, D), jnp.float32),
            jax.ShapeDtypeStruct((N, D), jnp.float32),
            jax.ShapeDtypeStruct((1, D), jnp.float32),
            jax.ShapeDtypeStruct((1, D), jnp.float32),
            jax.ShapeDtypeStruct((1, D), jnp.float32),
            jax.ShapeDtypeStruct((1, D), jnp.float32),
        ),
    )(h, muW, mub.reshape(1, D), lvW, lvb.reshape(1, D))


def kernel(x, edge_index, batch, W1, b1, W2, b2, bng, bnb,
           muW, mub, lvW, lvb, mug, mubb, lvg, lvbb):
    pad = EPAD - E
    src = jnp.concatenate([edge_index[0], jnp.zeros((pad,), jnp.int32)])
    dst = jnp.concatenate([edge_index[1],
                           jnp.full((pad,), NPAD - 1, jnp.int32)])
    src_r = src.reshape(NW, NCHUNK, CH)
    dst_r = dst.reshape(NW, NCHUNK, CH)
    zrows = jnp.zeros((RPS, D), jnp.float32)

    h = x
    for i in range(L):
        agg = _segment_sum_sc(h, src_r, dst_r, zrows)
        a, csum, csq = _mlp_layer(h, agg, W1[i], b1[i], W2[i], b2[i])
        h = _bn_apply(a, csum, csq, bng[i], bnb[i])

    amu, alv, smu, qmu, slv, qlv = _heads(h, muW, mub, lvW, lvb)
    mu = _bn_apply(amu, smu, qmu, mug, mubb)
    lv = _bn_apply(alv, slv, qlv, lvg, lvbb)
    return (mu, lv)

# --- scband reference (transcript-rebuilt; emitter-appended) ---
"""Pipeline reference for scband-encoder-base-18305150616329 (READ-ONLY COPY).

The authoritative reference and input builder live on the scoring server;
editing this copy changes nothing except your own understanding.
"""

import jax, jax.numpy as jnp
import numpy as np

N = 10000
E = 320000
D = 128
L = 3


def _bn(x, g, b):
    mean = jnp.mean(x, axis=0)
    var = jnp.var(x, axis=0)
    return (x - mean) / jnp.sqrt(var + 1e-5) * g + b


def setup_inputs(seed: int = 0) -> dict:
    key = jax.random.key(seed)
    ks = jax.random.split(key, 20)
    s = 1.0 / np.sqrt(D)
    x = jax.random.normal(ks[0], (N, D), dtype=jnp.float32)
    edge_index = jax.random.randint(ks[1], (2, E), 0, N, dtype=jnp.int32)
    batch = jnp.sort(jax.random.randint(ks[2], (N,), 0, 128, dtype=jnp.int32))
    W1 = jax.random.normal(ks[3], (L, D, D), dtype=jnp.float32) * s
    b1 = jnp.zeros((L, D), dtype=jnp.float32)
    W2 = jax.random.normal(ks[4], (L, D, D), dtype=jnp.float32) * s
    b2 = jnp.zeros((L, D), dtype=jnp.float32)
    bng = jnp.ones((L, D), dtype=jnp.float32)
    bnb = jnp.zeros((L, D), dtype=jnp.float32)
    muW = jax.random.normal(ks[5], (D, D), dtype=jnp.float32) * s
    mub = jnp.zeros((D,), dtype=jnp.float32)
    lvW = jax.random.normal(ks[6], (D, D), dtype=jnp.float32) * s
    lvb = jnp.zeros((D,), dtype=jnp.float32)
    mug = jnp.ones((D,), dtype=jnp.float32)
    mubb = jnp.zeros((D,), dtype=jnp.float32)
    lvg = jnp.ones((D,), dtype=jnp.float32)
    lvbb = jnp.zeros((D,), dtype=jnp.float32)
    return {"x": x, "edge_index": edge_index, "batch": batch,
            "W1": W1, "b1": b1, "W2": W2, "b2": b2,
            "bng": bng, "bnb": bnb,
            "muW": muW, "mub": mub, "lvW": lvW, "lvb": lvb,
            "mug": mug, "mubb": mubb, "lvg": lvg, "lvbb": lvbb}


def reference(x, edge_index, batch, W1, b1, W2, b2, bng, bnb,
              muW, mub, lvW, lvb, mug, mubb, lvg, lvbb):
    src = edge_index[0]
    dst = edge_index[1]
    h = x
    for i in range(L):
        # GINConv (eps=0): nn(x + sum_{j in N(i)} x_j)
        agg = jax.ops.segment_sum(h[src], dst, num_segments=h.shape[0])
        z = h + agg
        z = jnp.maximum(z @ W1[i] + b1[i], 0.0) @ W2[i] + b2[i]
        a = jnp.maximum(z, 0.0)
        h = _bn(a, bng[i], bnb[i])
    mu = _bn(jnp.maximum(h @ muW + mub, 0.0), mug, mubb)
    lv = _bn(jnp.maximum(h @ lvW + lvb, 0.0), lvg, lvbb)
    return (mu, lv)

if __name__ == "__main__":
    import jax
    _d = setup_inputs()
    print(jax.jit(kernel)(*tuple(_d.values())))

</pallas_src>

<mosaic_0001>
#map = affine_map<(d0, d1) -> (0, 0)>
#map1 = affine_map<(d0, d1) -> (0, 0, 0)>
module attributes {stable_mosaic.version = 14 : i64} {
  func.func @segsum(%arg0: i32, %arg1: i32, %arg2: memref<10000x128xf32, #tpu.memory_space<hbm>>, %arg3: memref<32x79x128xi32, #tpu.memory_space<hbm>>, %arg4: memref<32x79x128xi32, #tpu.memory_space<hbm>>, %arg5: memref<640x128xf32, #tpu.memory_space<hbm>>, %arg6: memref<2x10240x128xf32, #tpu.memory_space<hbm>>, %arg7: memref<79x128xi32, #tpu.memory_space<vmem>>, %arg8: memref<79x128xi32, #tpu.memory_space<vmem>>, %arg9: memref<128x128xf32, #tpu.memory_space<vmem>>, %arg10: memref<10240x128xf32, #tpu.memory_space<vmem_shared>>) attributes {dimension_semantics = [#tpu.dimension_semantics<core_parallel>, #tpu.dimension_semantics<subcore_parallel>], iteration_bounds = array<i64: 2, 16>, scalar_prefetch = 0 : i64, scratch_operands = 4 : i64, tpu.core_type = #tpu.core_type<sc_vector_subcore>, window_params = [{transform_indices = #map}, {transform_indices = #map1}, {transform_indices = #map1}, {transform_indices = #map}, {transform_indices = #map1}]} {
    %mul3A = arith.constant 2 : i32
    %mul3A_0 = arith.muli %arg1, %mul3A : i32
    %add3A = arith.addi %mul3A_0, %arg0 : i32
    %mul3A_1 = arith.constant 640 : i32
    %mul3A_2 = arith.muli %arg1, %mul3A_1 : i32
    "tpu.region"() ({
      %run_scoped3A = tpu.sem_alloc : memref<!tpu.dma_semaphore, #tpu.memory_space<semaphore_mem>>
      %dma_start3A = arith.constant 0 : i32
      %dma_start3A_12 = tpu.memref_slice %arg10[%mul3A_2, %dma_start3A] : memref<10240x128xf32, #tpu.memory_space<vmem_shared>> -> memref<640x128xf32, #tpu.memory_space<vmem_shared>>
      tpu.enqueue_dma source(%arg5 : memref<640x128xf32, #tpu.memory_space<hbm>>) target(%dma_start3A_12 : memref<640x128xf32, #tpu.memory_space<vmem_shared>>) target_semaphore(%run_scoped3A : memref<!tpu.dma_semaphore, #tpu.memory_space<semaphore_mem>>)
      %dma_wait3A = arith.constant 0 : i32
      %dma_wait3A_13 = tpu.memref_slice %arg10[%mul3A_2, %dma_wait3A] : memref<10240x128xf32, #tpu.memory_space<vmem_shared>> -> memref<640x128xf32, #tpu.memory_space<vmem_shared>>
      tpu.wait_dma2 semaphore(%run_scoped3A : memref<!tpu.dma_semaphore, #tpu.memory_space<semaphore_mem>>) src(%arg5 : memref<640x128xf32, #tpu.memory_space<hbm>>) dst(%dma_wait3A_13 : memref<640x128xf32, #tpu.memory_space<vmem_shared>>)
      tpu.yield
    }) : () -> ()
    "tpu.region"() ({
      %run_scoped3A = tpu.sem_alloc : memref<!tpu.dma_semaphore, #tpu.memory_space<semaphore_mem>>
      %dma_start3A = arith.constant 0 : i32
      %dma_start3A_12 = arith.constant 0 : i32
      %dma_start3A_13 = tpu.memref_slice %arg3[%add3A, %dma_start3A, %dma_start3A_12] : memref<32x79x128xi32, #tpu.memory_space<hbm>> -> memref<1x79x128xi32, #tpu.memory_space<hbm>>
      %dma_start3A_14 = tpu.memref_squeeze %dma_start3A_13 : memref<1x79x128xi32, #tpu.memory_space<hbm>> -> memref<79x128xi32, #tpu.memory_space<hbm>>
      %dma_start3A_15 = arith.constant 0 : i32
      %dma_start3A_16 = arith.constant 0 : i32
      %dma_start3A_17 = tpu.memref_slice %arg3[%add3A, %dma_start3A_15, %dma_start3A_16] : memref<32x79x128xi32, #tpu.memory_space<hbm>> -> memref<1x79x128xi32, #tpu.memory_space<hbm>>
      %dma_start3A_18 = tpu.memref_squeeze %dma_start3A_17 : memref<1x79x128xi32, #tpu.memory_space<hbm>> -> memref<79x128xi32, #tpu.memory_space<hbm>>
      tpu.enqueue_dma source(%dma_start3A_18 : memref<79x128xi32, #tpu.memory_space<hbm>>) target(%arg7 : memref<79x128xi32, #tpu.memory_space<vmem>>) target_semaphore(%run_scoped3A : memref<!tpu.dma_semaphore, #tpu.memory_space<semaphore_mem>>)
      %dma_wait3A = arith.constant 0 : i32
      %dma_wait3A_19 = arith.constant 0 : i32
      %dma_wait3A_20 = tpu.memref_slice %arg3[%add3A, %dma_wait3A, %dma_wait3A_19] : memref<32x79x128xi32, #tpu.memory_space<hbm>> -> memref<1x79x128xi32, #tpu.memory_space<hbm>>
      %dma_wait3A_21 = tpu.memref_squeeze %dma_wait3A_20 : memref<1x79x128xi32, #tpu.memory_space<hbm>> -> memref<79x128xi32, #tpu.memory_space<hbm>>
      %dma_wait3A_22 = arith.constant 0 : i32
      %dma_wait3A_23 = arith.constant 0 : i32
      %dma_wait3A_24 = tpu.memref_slice %arg3[%add3A, %dma_wait3A_22, %dma_wait3A_23] : memref<32x79x128xi32, #tpu.memory_space<hbm>> -> memref<1x79x128xi32, #tpu.memory_space<hbm>>
      %dma_wait3A_25 = tpu.memref_squeeze %dma_wait3A_24 : memref<1x79x128xi32, #tpu.memory_space<hbm>> -> memref<79x128xi32, #tpu.memory_space<hbm>>
      tpu.wait_dma2 semaphore(%run_scoped3A : memref<!tpu.dma_semaphore, #tpu.memory_space<semaphore_mem>>) src(%dma_wait3A_25 : memref<79x128xi32, #tpu.memory_space<hbm>>) dst(%arg7 : memref<79x128xi32, #tpu.memory_space<vmem>>)
      tpu.yield
    }) : () -> ()
    "tpu.region"() ({
      %run_scoped3A = tpu.sem_alloc : memref<!tpu.dma_semaphore, #tpu.memory_space<semaphore_mem>>
      %dma_start3A = arith.constant 0 : i32
      %dma_start3A_12 = arith.constant 0 : i32
      %dma_start3A_13 = tpu.memref_slice %arg4[%add3A, %dma_start3A, %dma_start3A_12] : memref<32x79x128xi32, #tpu.memory_space<hbm>> -> memref<1x79x128xi32, #tpu.memory_space<hbm>>
      %dma_start3A_14 = tpu.memref_squeeze %dma_start3A_13 : memref<1x79x128xi32, #tpu.memory_space<hbm>> -> memref<79x128xi32, #tpu.memory_space<hbm>>
      %dma_start3A_15 = arith.constant 0 : i32
      %dma_start3A_16 = arith.constant 0 : i32
      %dma_start3A_17 = tpu.memref_slice %arg4[%add3A, %dma_start3A_15, %dma_start3A_16] : memref<32x79x128xi32, #tpu.memory_space<hbm>> -> memref<1x79x128xi32, #tpu.memory_space<hbm>>
      %dma_start3A_18 = tpu.memref_squeeze %dma_start3A_17 : memref<1x79x128xi32, #tpu.memory_space<hbm>> -> memref<79x128xi32, #tpu.memory_space<hbm>>
      tpu.enqueue_dma source(%dma_start3A_18 : memref<79x128xi32, #tpu.memory_space<hbm>>) target(%arg8 : memref<79x128xi32, #tpu.memory_space<vmem>>) target_semaphore(%run_scoped3A : memref<!tpu.dma_semaphore, #tpu.memory_space<semaphore_mem>>)
      %dma_wait3A = arith.constant 0 : i32
      %dma_wait3A_19 = arith.constant 0 : i32
      %dma_wait3A_20 = tpu.memref_slice %arg4[%add3A, %dma_wait3A, %dma_wait3A_19] : memref<32x79x128xi32, #tpu.memory_space<hbm>> -> memref<1x79x128xi32, #tpu.memory_space<hbm>>
      %dma_wait3A_21 = tpu.memref_squeeze %dma_wait3A_20 : memref<1x79x128xi32, #tpu.memory_space<hbm>> -> memref<79x128xi32, #tpu.memory_space<hbm>>
      %dma_wait3A_22 = arith.constant 0 : i32
      %dma_wait3A_23 = arith.constant 0 : i32
      %dma_wait3A_24 = tpu.memref_slice %arg4[%add3A, %dma_wait3A_22, %dma_wait3A_23] : memref<32x79x128xi32, #tpu.memory_space<hbm>> -> memref<1x79x128xi32, #tpu.memory_space<hbm>>
      %dma_wait3A_25 = tpu.memref_squeeze %dma_wait3A_24 : memref<1x79x128xi32, #tpu.memory_space<hbm>> -> memref<79x128xi32, #tpu.memory_space<hbm>>
      tpu.wait_dma2 semaphore(%run_scoped3A : memref<!tpu.dma_semaphore, #tpu.memory_space<semaphore_mem>>) src(%dma_wait3A_25 : memref<79x128xi32, #tpu.memory_space<hbm>>) dst(%arg8 : memref<79x128xi32, #tpu.memory_space<vmem>>)
      tpu.yield
    }) : () -> ()
    %barrier3A = arith.constant 0 : index
    tpu.barrier barrier_id(%barrier3A)
    %scan3A = arith.constant 0 : i32
    %scan3A_3 = arith.constant 79 : i32
    %scan3A_4 = arith.addi %scan3A, %scan3A_3 : i32
    %scan3A_5 = arith.constant 1 : i32
    scf.for %scan3A_12 = %scan3A to %scan3A_4 step %scan3A_5  : i32 {
      %mul3A_13 = arith.constant 1 : i32
      %mul3A_14 = arith.muli %scan3A_12, %mul3A_13 : i32
      %add3A_15 = arith.constant 0 : i32
      %add3A_16 = arith.addi %add3A_15, %mul3A_14 : i32
      "tpu.region"() ({
        %run_scoped3A = tpu.sem_alloc : memref<!tpu.dma_semaphore, #tpu.memory_space<semaphore_mem>>
        %dma_start3A = arith.constant 0 : i32
        %dma_start3A_17 = tpu.memref_slice %arg7[%add3A_16, %dma_start3A] : memref<79x128xi32, #tpu.memory_space<vmem>> -> memref<1x128xi32, #tpu.memory_space<vmem>>
        %dma_start3A_18 = tpu.memref_squeeze %dma_start3A_17 : memref<1x128xi32, #tpu.memory_space<vmem>> -> memref<128xi32, #tpu.memory_space<vmem>>
        %dma_start3A_19 = arith.constant 0 : i32
        %dma_start3A_20 = arith.constant 0 : i32
        %dma_start3A_21 = tpu.memref_slice %arg2[%dma_start3A_19, %dma_start3A_20] : memref<10000x128xf32, #tpu.memory_space<hbm>> -> memref<10000x128xf32, #tpu.memory_space<hbm>>
        tpu.enqueue_indirect_dma source(%dma_start3A_21 : memref<10000x128xf32, #tpu.memory_space<hbm>>) target(%arg9 : memref<128x128xf32, #tpu.memory_space<vmem>>) offsets(%dma_start3A_18 : memref<128xi32, #tpu.memory_space<vmem>>) semaphore(%run_scoped3A : memref<!tpu.dma_semaphore, #tpu.memory_space<semaphore_mem>>)
        %dma_wait3A = arith.constant 0 : i32
        %dma_wait3A_22 = tpu.memref_slice %arg7[%add3A_16, %dma_wait3A] : memref<79x128xi32, #tpu.memory_space<vmem>> -> memref<1x128xi32, #tpu.memory_space<vmem>>
        %dma_wait3A_23 = tpu.memref_squeeze %dma_wait3A_22 : memref<1x128xi32, #tpu.memory_space<vmem>> -> memref<128xi32, #tpu.memory_space<vmem>>
        %dma_wait3A_24 = arith.constant 0 : i32
        %dma_wait3A_25 = arith.constant 0 : i32
        %dma_wait3A_26 = tpu.memref_slice %arg2[%dma_wait3A_24, %dma_wait3A_25] : memref<10000x128xf32, #tpu.memory_space<hbm>> -> memref<10000x128xf32, #tpu.memory_space<hbm>>
        tpu.wait_indirect_dma semaphore(%run_scoped3A : memref<!tpu.dma_semaphore, #tpu.memory_space<semaphore_mem>>) src(%dma_wait3A_26 : memref<10000x128xf32, #tpu.memory_space<hbm>>) dst(%arg9 : memref<128x128xf32, #tpu.memory_space<vmem>>)
        tpu.yield
      }) : () -> ()
      "tpu.region"() ({
        %run_scoped3A = tpu.sem_alloc : memref<!tpu.dma_semaphore, #tpu.memory_space<semaphore_mem>>
        %dma_start3A = arith.constant 0 : i32
        %dma_start3A_17 = tpu.memref_slice %arg8[%add3A_16, %dma_start3A] : memref<79x128xi32, #tpu.memory_space<vmem>> -> memref<1x128xi32, #tpu.memory_space<vmem>>
        %dma_start3A_18 = tpu.memref_squeeze %dma_start3A_17 : memref<1x128xi32, #tpu.memory_space<vmem>> -> memref<128xi32, #tpu.memory_space<vmem>>
        %dma_start3A_19 = arith.constant 0 : i32
        %dma_start3A_20 = arith.constant 0 : i32
        %dma_start3A_21 = tpu.memref_slice %arg10[%dma_start3A_19, %dma_start3A_20] : memref<10240x128xf32, #tpu.memory_space<vmem_shared>> -> memref<10240x128xf32, #tpu.memory_space<vmem_shared>>
        tpu.enqueue_indirect_dma source(%arg9 : memref<128x128xf32, #tpu.memory_space<vmem>>) target(%dma_start3A_21 : memref<10240x128xf32, #tpu.memory_space<vmem_shared>>) offsets(%dma_start3A_18 : memref<128xi32, #tpu.memory_space<vmem>>) semaphore(%run_scoped3A : memref<!tpu.dma_semaphore, #tpu.memory_space<semaphore_mem>>) {add = true}
        %dma_wait3A = arith.constant 0 : i32
        %dma_wait3A_22 = tpu.memref_slice %arg8[%add3A_16, %dma_wait3A] : memref<79x128xi32, #tpu.memory_space<vmem>> -> memref<1x128xi32, #tpu.memory_space<vmem>>
        %dma_wait3A_23 = tpu.memref_squeeze %dma_wait3A_22 : memref<1x128xi32, #tpu.memory_space<vmem>> -> memref<128xi32, #tpu.memory_space<vmem>>
        %dma_wait3A_24 = arith.constant 0 : i32
        %dma_wait3A_25 = arith.constant 0 : i32
        %dma_wait3A_26 = tpu.memref_slice %arg10[%dma_wait3A_24, %dma_wait3A_25] : memref<10240x128xf32, #tpu.memory_space<vmem_shared>> -> memref<10240x128xf32, #tpu.memory_space<vmem_shared>>
        tpu.wait_indirect_dma semaphore(%run_scoped3A : memref<!tpu.dma_semaphore, #tpu.memory_space<semaphore_mem>>) src(%arg9 : memref<128x128xf32, #tpu.memory_space<vmem>>) dst(%dma_wait3A_26 : memref<10240x128xf32, #tpu.memory_space<vmem_shared>>)
        tpu.yield
      }) : () -> ()
    }
    %scan3A_6 = arith.constant 79 : i32
    %barrier3A_7 = arith.constant 0 : index
    tpu.barrier barrier_id(%barrier3A_7)
    %mul3A_8 = arith.constant 640 : i32
    %mul3A_9 = arith.muli %arg1, %mul3A_8 : i32
    %mul3A_10 = arith.constant 640 : i32
    %mul3A_11 = arith.muli %arg1, %mul3A_10 : i32
    "tpu.region"() ({
      %run_scoped3A = tpu.sem_alloc : memref<!tpu.dma_semaphore, #tpu.memory_space<semaphore_mem>>
      %dma_start3A = arith.constant 0 : i32
      %dma_start3A_12 = tpu.memref_slice %arg6[%arg0, %mul3A_11, %dma_start3A] : memref<2x10240x128xf32, #tpu.memory_space<hbm>> -> memref<1x640x128xf32, #tpu.memory_space<hbm>>
      %dma_start3A_13 = tpu.memref_squeeze %dma_start3A_12 : memref<1x640x128xf32, #tpu.memory_space<hbm>> -> memref<640x128xf32, #tpu.memory_space<hbm>>
      %dma_start3A_14 = arith.constant 0 : i32
      %dma_start3A_15 = tpu.memref_slice %arg10[%mul3A_9, %dma_start3A_14] : memref<10240x128xf32, #tpu.memory_space<vmem_shared>> -> memref<640x128xf32, #tpu.memory_space<vmem_shared>>
      tpu.enqueue_dma source(%dma_start3A_15 : memref<640x128xf32, #tpu.memory_space<vmem_shared>>) target(%dma_start3A_13 : memref<640x128xf32, #tpu.memory_space<hbm>>) target_semaphore(%run_scoped3A : memref<!tpu.dma_semaphore, #tpu.memory_space<semaphore_mem>>)
      %dma_wait3A = arith.constant 0 : i32
      %dma_wait3A_16 = tpu.memref_slice %arg6[%arg0, %mul3A_11, %dma_wait3A] : memref<2x10240x128xf32, #tpu.memory_space<hbm>> -> memref<1x640x128xf32, #tpu.memory_space<hbm>>
      %dma_wait3A_17 = tpu.memref_squeeze %dma_wait3A_16 : memref<1x640x128xf32, #tpu.memory_space<hbm>> -> memref<640x128xf32, #tpu.memory_space<hbm>>
      %dma_wait3A_18 = arith.constant 0 : i32
      %dma_wait3A_19 = tpu.memref_slice %arg10[%mul3A_9, %dma_wait3A_18] : memref<10240x128xf32, #tpu.memory_space<vmem_shared>> -> memref<640x128xf32, #tpu.memory_space<vmem_shared>>
      tpu.wait_dma2 semaphore(%run_scoped3A : memref<!tpu.dma_semaphore, #tpu.memory_space<semaphore_mem>>) src(%dma_wait3A_19 : memref<640x128xf32, #tpu.memory_space<vmem_shared>>) dst(%dma_wait3A_17 : memref<640x128xf32, #tpu.memory_space<hbm>>)
      tpu.yield
    }) : () -> ()
    return
  }
}

#map = affine_map<(d0, d1) -> (0, 0)>
#map1 = affine_map<(d0, d1) -> (0, 0, 0)>
module attributes {stable_mosaic.version = 14 : i64} {
  func.func @segsum(%arg0: i32, %arg1: i32, %arg2: memref<10000x128xf32, #tpu.memory_space<hbm>>, %arg3: memref<32x79x128xi32, #tpu.memory_space<hbm>>, %arg4: memref<32x79x128xi32, #tpu.memory_space<hbm>>, %arg5: memref<640x128xf32, #tpu.memory_space<hbm>>, %arg6: memref<2x10240x128xf32, #tpu.memory_space<hbm>>, %arg7: memref<79x128xi32, #tpu.memory_space<vmem>>, %arg8: memref<79x128xi32, #tpu.memory_space<vmem>>, %arg9: memref<128x128xf32, #tpu.memory_space<vmem>>, %arg10: memref<10240x128xf32, #tpu.memory_space<vmem_shared>>) attributes {dimension_semantics = [#tpu.dimension_semantics<core_parallel>, #tpu.dimension_semantics<subcore_parallel>], iteration_bounds = array<i64: 2, 16>, scalar_prefetch = 0 : i64, scratch_operands = 4 : i64, tpu.core_type = #tpu.core_type<sc_vector_subcore>, window_params = [{transform_indices = #map}, {transform_indices = #map1}, {transform_indices = #map1}, {transform_indices = #map}, {transform_indices = #map1}]} {
    %mul3A = arith.constant 2 : i32
    %mul3A_0 = arith.muli %arg1, %mul3A : i32
    %add3A = arith.addi %mul3A_0, %arg0 : i32
    %mul3A_1 = arith.constant 640 : i32
    %mul3A_2 = arith.muli %arg1, %mul3A_1 : i32
    "tpu.region"() ({
      %run_scoped3A = tpu.sem_alloc : memref<!tpu.dma_semaphore, #tpu.memory_space<semaphore_mem>>
      %dma_start3A = arith.constant 0 : i32
      %dma_start3A_12 = tpu.memref_slice %arg10[%mul3A_2, %dma_start3A] : memref<10240x128xf32, #tpu.memory_space<vmem_shared>> -> memref<640x128xf32, #tpu.memory_space<vmem_shared>>
      tpu.enqueue_dma source(%arg5 : memref<640x128xf32, #tpu.memory_space<hbm>>) target(%dma_start3A_12 : memref<640x128xf32, #tpu.memory_space<vmem_shared>>) target_semaphore(%run_scoped3A : memref<!tpu.dma_semaphore, #tpu.memory_space<semaphore_mem>>)
      %dma_wait3A = arith.constant 0 : i32
      %dma_wait3A_13 = tpu.memref_slice %arg10[%mul3A_2, %dma_wait3A] : memref<10240x128xf32, #tpu.memory_space<vmem_shared>> -> memref<640x128xf32, #tpu.memory_space<vmem_shared>>
      tpu.wait_dma2 semaphore(%run_scoped3A : memref<!tpu.dma_semaphore, #tpu.memory_space<semaphore_mem>>) src(%arg5 : memref<640x128xf32, #tpu.memory_space<hbm>>) dst(%dma_wait3A_13 : memref<640x128xf32, #tpu.memory_space<vmem_shared>>)
      tpu.yield
    }) : () -> ()
    "tpu.region"() ({
      %run_scoped3A = tpu.sem_alloc : memref<!tpu.dma_semaphore, #tpu.memory_space<semaphore_mem>>
      %dma_start3A = arith.constant 0 : i32
      %dma_start3A_12 = arith.constant 0 : i32
      %dma_start3A_13 = tpu.memref_slice %arg3[%add3A, %dma_start3A, %dma_start3A_12] : memref<32x79x128xi32, #tpu.memory_space<hbm>> -> memref<1x79x128xi32, #tpu.memory_space<hbm>>
      %dma_start3A_14 = tpu.memref_squeeze %dma_start3A_13 : memref<1x79x128xi32, #tpu.memory_space<hbm>> -> memref<79x128xi32, #tpu.memory_space<hbm>>
      %dma_start3A_15 = arith.constant 0 : i32
      %dma_start3A_16 = arith.constant 0 : i32
      %dma_start3A_17 = tpu.memref_slice %arg3[%add3A, %dma_start3A_15, %dma_start3A_16] : memref<32x79x128xi32, #tpu.memory_space<hbm>> -> memref<1x79x128xi32, #tpu.memory_space<hbm>>
      %dma_start3A_18 = tpu.memref_squeeze %dma_start3A_17 : memref<1x79x128xi32, #tpu.memory_space<hbm>> -> memref<79x128xi32, #tpu.memory_space<hbm>>
      tpu.enqueue_dma source(%dma_start3A_18 : memref<79x128xi32, #tpu.memory_space<hbm>>) target(%arg7 : memref<79x128xi32, #tpu.memory_space<vmem>>) target_semaphore(%run_scoped3A : memref<!tpu.dma_semaphore, #tpu.memory_space<semaphore_mem>>)
      %dma_wait3A = arith.constant 0 : i32
      %dma_wait3A_19 = arith.constant 0 : i32
      %dma_wait3A_20 = tpu.memref_slice %arg3[%add3A, %dma_wait3A, %dma_wait3A_19] : memref<32x79x128xi32, #tpu.memory_space<hbm>> -> memref<1x79x128xi32, #tpu.memory_space<hbm>>
      %dma_wait3A_21 = tpu.memref_squeeze %dma_wait3A_20 : memref<1x79x128xi32, #tpu.memory_space<hbm>> -> memref<79x128xi32, #tpu.memory_space<hbm>>
      %dma_wait3A_22 = arith.constant 0 : i32
      %dma_wait3A_23 = arith.constant 0 : i32
      %dma_wait3A_24 = tpu.memref_slice %arg3[%add3A, %dma_wait3A_22, %dma_wait3A_23] : memref<32x79x128xi32, #tpu.memory_space<hbm>> -> memref<1x79x128xi32, #tpu.memory_space<hbm>>
      %dma_wait3A_25 = tpu.memref_squeeze %dma_wait3A_24 : memref<1x79x128xi32, #tpu.memory_space<hbm>> -> memref<79x128xi32, #tpu.memory_space<hbm>>
      tpu.wait_dma2 semaphore(%run_scoped3A : memref<!tpu.dma_semaphore, #tpu.memory_space<semaphore_mem>>) src(%dma_wait3A_25 : memref<79x128xi32, #tpu.memory_space<hbm>>) dst(%arg7 : memref<79x128xi32, #tpu.memory_space<vmem>>)
      tpu.yield
    }) : () -> ()
    "tpu.region"() ({
      %run_scoped3A = tpu.sem_alloc : memref<!tpu.dma_semaphore, #tpu.memory_space<semaphore_mem>>
      %dma_start3A = arith.constant 0 : i32
      %dma_start3A_12 = arith.constant 0 : i32
      %dma_start3A_13 = tpu.memref_slice %arg4[%add3A, %dma_start3A, %dma_start3A_12] : memref<32x79x128xi32, #tpu.memory_space<hbm>> -> memref<1x79x128xi32, #tpu.memory_space<hbm>>
      %dma_start3A_14 = tpu.memref_squeeze %dma_start3A_13 : memref<1x79x128xi32, #tpu.memory_space<hbm>> -> memref<79x128xi32, #tpu.memory_space<hbm>>
      %dma_start3A_15 = arith.constant 0 : i32
      %dma_start3A_16 = arith.constant 0 : i32
      %dma_start3A_17 = tpu.memref_slice %arg4[%add3A, %dma_start3A_15, %dma_start3A_16] : memref<32x79x128xi32, #tpu.memory_space<hbm>> -> memref<1x79x128xi32, #tpu.memory_space<hbm>>
      %dma_start3A_18 = tpu.memref_squeeze %dma_start3A_17 : memref<1x79x128xi32, #tpu.memory_space<hbm>> -> memref<79x128xi32, #tpu.memory_space<hbm>>
      tpu.enqueue_dma source(%dma_start3A_18 : memref<79x128xi32, #tpu.memory_space<hbm>>) target(%arg8 : memref<79x128xi32, #tpu.memory_space<vmem>>) target_semaphore(%run_scoped3A : memref<!tpu.dma_semaphore, #tpu.memory_space<semaphore_mem>>)
      %dma_wait3A = arith.constant 0 : i32
      %dma_wait3A_19 = arith.constant 0 : i32
      %dma_wait3A_20 = tpu.memref_slice %arg4[%add3A, %dma_wait3A, %dma_wait3A_19] : memref<32x79x128xi32, #tpu.memory_space<hbm>> -> memref<1x79x128xi32, #tpu.memory_space<hbm>>
      %dma_wait3A_21 = tpu.memref_squeeze %dma_wait3A_20 : memref<1x79x128xi32, #tpu.memory_space<hbm>> -> memref<79x128xi32, #tpu.memory_space<hbm>>
      %dma_wait3A_22 = arith.constant 0 : i32
      %dma_wait3A_23 = arith.constant 0 : i32
      %dma_wait3A_24 = tpu.memref_slice %arg4[%add3A, %dma_wait3A_22, %dma_wait3A_23] : memref<32x79x128xi32, #tpu.memory_space<hbm>> -> memref<1x79x128xi32, #tpu.memory_space<hbm>>
      %dma_wait3A_25 = tpu.memref_squeeze %dma_wait3A_24 : memref<1x79x128xi32, #tpu.memory_space<hbm>> -> memref<79x128xi32, #tpu.memory_space<hbm>>
      tpu.wait_dma2 semaphore(%run_scoped3A : memref<!tpu.dma_semaphore, #tpu.memory_space<semaphore_mem>>) src(%dma_wait3A_25 : memref<79x128xi32, #tpu.memory_space<hbm>>) dst(%arg8 : memref<79x128xi32, #tpu.memory_space<vmem>>)
      tpu.yield
    }) : () -> ()
    %barrier3A = arith.constant 0 : index
    tpu.barrier barrier_id(%barrier3A)
    %scan3A = arith.constant 0 : i32
    %scan3A_3 = arith.constant 79 : i32
    %scan3A_4 = arith.addi %scan3A, %scan3A_3 : i32
    %scan3A_5 = arith.constant 1 : i32
    scf.for %scan3A_12 = %scan3A to %scan3A_4 step %scan3A_5  : i32 {
      %mul3A_13 = arith.constant 1 : i32
      %mul3A_14 = arith.muli %scan3A_12, %mul3A_13 : i32
      %add3A_15 = arith.constant 0 : i32
      %add3A_16 = arith.addi %add3A_15, %mul3A_14 : i32
      "tpu.region"() ({
        %run_scoped3A = tpu.sem_alloc : memref<!tpu.dma_semaphore, #tpu.memory_space<semaphore_mem>>
        %dma_start3A = arith.constant 0 : i32
        %dma_start3A_17 = tpu.memref_slice %arg7[%add3A_16, %dma_start3A] : memref<79x128xi32, #tpu.memory_space<vmem>> -> memref<1x128xi32, #tpu.memory_space<vmem>>
        %dma_start3A_18 = tpu.memref_squeeze %dma_start3A_17 : memref<1x128xi32, #tpu.memory_space<vmem>> -> memref<128xi32, #tpu.memory_space<vmem>>
        %dma_start3A_19 = arith.constant 0 : i32
        %dma_start3A_20 = arith.constant 0 : i32
        %dma_start3A_21 = tpu.memref_slice %arg2[%dma_start3A_19, %dma_start3A_20] : memref<10000x128xf32, #tpu.memory_space<hbm>> -> memref<10000x128xf32, #tpu.memory_space<hbm>>
        tpu.enqueue_indirect_dma source(%dma_start3A_21 : memref<10000x128xf32, #tpu.memory_space<hbm>>) target(%arg9 : memref<128x128xf32, #tpu.memory_space<vmem>>) offsets(%dma_start3A_18 : memref<128xi32, #tpu.memory_space<vmem>>) semaphore(%run_scoped3A : memref<!tpu.dma_semaphore, #tpu.memory_space<semaphore_mem>>)
        %dma_wait3A = arith.constant 0 : i32
        %dma_wait3A_22 = tpu.memref_slice %arg7[%add3A_16, %dma_wait3A] : memref<79x128xi32, #tpu.memory_space<vmem>> -> memref<1x128xi32, #tpu.memory_space<vmem>>
        %dma_wait3A_23 = tpu.memref_squeeze %dma_wait3A_22 : memref<1x128xi32, #tpu.memory_space<vmem>> -> memref<128xi32, #tpu.memory_space<vmem>>
        %dma_wait3A_24 = arith.constant 0 : i32
        %dma_wait3A_25 = arith.constant 0 : i32
        %dma_wait3A_26 = tpu.memref_slice %arg2[%dma_wait3A_24, %dma_wait3A_25] : memref<10000x128xf32, #tpu.memory_space<hbm>> -> memref<10000x128xf32, #tpu.memory_space<hbm>>
        tpu.wait_indirect_dma semaphore(%run_scoped3A : memref<!tpu.dma_semaphore, #tpu.memory_space<semaphore_mem>>) src(%dma_wait3A_26 : memref<10000x128xf32, #tpu.memory_space<hbm>>) dst(%arg9 : memref<128x128xf32, #tpu.memory_space<vmem>>)
        tpu.yield
      }) : () -> ()
      "tpu.region"() ({
        %run_scoped3A = tpu.sem_alloc : memref<!tpu.dma_semaphore, #tpu.memory_space<semaphore_mem>>
        %dma_start3A = arith.constant 0 : i32
        %dma_start3A_17 = tpu.memref_slice %arg8[%add3A_16, %dma_start3A] : memref<79x128xi32, #tpu.memory_space<vmem>> -> memref<1x128xi32, #tpu.memory_space<vmem>>
        %dma_start3A_18 = tpu.memref_squeeze %dma_start3A_17 : memref<1x128xi32, #tpu.memory_space<vmem>> -> memref<128xi32, #tpu.memory_space<vmem>>
        %dma_start3A_19 = arith.constant 0 : i32
        %dma_start3A_20 = arith.constant 0 : i32
        %dma_start3A_21 = tpu.memref_slice %arg10[%dma_start3A_19, %dma_start3A_20] : memref<10240x128xf32, #tpu.memory_space<vmem_shared>> -> memref<10240x128xf32, #tpu.memory_space<vmem_shared>>
        tpu.enqueue_indirect_dma source(%arg9 : memref<128x128xf32, #tpu.memory_space<vmem>>) target(%dma_start3A_21 : memref<10240x128xf32, #tpu.memory_space<vmem_shared>>) offsets(%dma_start3A_18 : memref<128xi32, #tpu.memory_space<vmem>>) semaphore(%run_scoped3A : memref<!tpu.dma_semaphore, #tpu.memory_space<semaphore_mem>>) {add = true}
        %dma_wait3A = arith.constant 0 : i32
        %dma_wait3A_22 = tpu.memref_slice %arg8[%add3A_16, %dma_wait3A] : memref<79x128xi32, #tpu.memory_space<vmem>> -> memref<1x128xi32, #tpu.memory_space<vmem>>
        %dma_wait3A_23 = tpu.memref_squeeze %dma_wait3A_22 : memref<1x128xi32, #tpu.memory_space<vmem>> -> memref<128xi32, #tpu.memory_space<vmem>>
        %dma_wait3A_24 = arith.constant 0 : i32
        %dma_wait3A_25 = arith.constant 0 : i32
        %dma_wait3A_26 = tpu.memref_slice %arg10[%dma_wait3A_24, %dma_wait3A_25] : memref<10240x128xf32, #tpu.memory_space<vmem_shared>> -> memref<10240x128xf32, #tpu.memory_space<vmem_shared>>
        tpu.wait_indirect_dma semaphore(%run_scoped3A : memref<!tpu.dma_semaphore, #tpu.memory_space<semaphore_mem>>) src(%arg9 : memref<128x128xf32, #tpu.memory_space<vmem>>) dst(%dma_wait3A_26 : memref<10240x128xf32, #tpu.memory_space<vmem_shared>>)
        tpu.yield
      }) : () -> ()
    }
    %scan3A_6 = arith.constant 79 : i32
    %barrier3A_7 = arith.constant 0 : index
    tpu.barrier barrier_id(%barrier3A_7)
    %mul3A_8 = arith.constant 640 : i32
    %mul3A_9 = arith.muli %arg1, %mul3A_8 : i32
    %mul3A_10 = arith.constant 640 : i32
    %mul3A_11 = arith.muli %arg1, %mul3A_10 : i32
    "tpu.region"() ({
      %run_scoped3A = tpu.sem_alloc : memref<!tpu.dma_semaphore, #tpu.memory_space<semaphore_mem>>
      %dma_start3A = arith.constant 0 : i32
      %dma_start3A_12 = tpu.memref_slice %arg6[%arg0, %mul3A_11, %dma_start3A] : memref<2x10240x128xf32, #tpu.memory_space<hbm>> -> memref<1x640x128xf32, #tpu.memory_space<hbm>>
      %dma_start3A_13 = tpu.memref_squeeze %dma_start3A_12 : memref<1x640x128xf32, #tpu.memory_space<hbm>> -> memref<640x128xf32, #tpu.memory_space<hbm>>
      %dma_start3A_14 = arith.constant 0 : i32
      %dma_start3A_15 = tpu.memref_slice %arg10[%mul3A_9, %dma_start3A_14] : memref<10240x128xf32, #tpu.memory_space<vmem_shared>> -> memref<640x128xf32, #tpu.memory_space<vmem_shared>>
      tpu.enqueue_dma source(%dma_start3A_15 : memref<640x128xf32, #tpu.memory_space<vmem_shared>>) target(%dma_start3A_13 : memref<640x128xf32, #tpu.memory_space<hbm>>) target_semaphore(%run_scoped3A : memref<!tpu.dma_semaphore, #tpu.memory_space<semaphore_mem>>)
      %dma_wait3A = arith.constant 0 : i32
      %dma_wait3A_16 = tpu.memref_slice %arg6[%arg0, %mul3A_11, %dma_wait3A] : memref<2x10240x128xf32, #tpu.memory_space<hbm>> -> memref<1x640x128xf32, #tpu.memory_space<hbm>>
      %dma_wait3A_17 = tpu.memref_squeeze %dma_wait3A_16 : memref<1x640x128xf32, #tpu.memory_space<hbm>> -> memref<640x128xf32, #tpu.memory_space<hbm>>
      %dma_wait3A_18 = arith.constant 0 : i32
      %dma_wait3A_19 = tpu.memref_slice %arg10[%mul3A_9, %dma_wait3A_18] : memref<10240x128xf32, #tpu.memory_space<vmem_shared>> -> memref<640x128xf32, #tpu.memory_space<vmem_shared>>
      tpu.wait_dma2 semaphore(%run_scoped3A : memref<!tpu.dma_semaphore, #tpu.memory_space<semaphore_mem>>) src(%dma_wait3A_19 : memref<640x128xf32, #tpu.memory_space<vmem_shared>>) dst(%dma_wait3A_17 : memref<640x128xf32, #tpu.memory_space<hbm>>)
      tpu.yield
    }) : () -> ()
    return
  }
}

#map = affine_map<(d0, d1) -> (0, 0)>
#map1 = affine_map<(d0, d1) -> (0, 0, 0)>
module attributes {stable_mosaic.version = 14 : i64} {
  func.func @segsum(%arg0: i32, %arg1: i32, %arg2: memref<10000x128xf32, #tpu.memory_space<hbm>>, %arg3: memref<32x79x128xi32, #tpu.memory_space<hbm>>, %arg4: memref<32x79x128xi32, #tpu.memory_space<hbm>>, %arg5: memref<640x128xf32, #tpu.memory_space<hbm>>, %arg6: memref<2x10240x128xf32, #tpu.memory_space<hbm>>, %arg7: memref<79x128xi32, #tpu.memory_space<vmem>>, %arg8: memref<79x128xi32, #tpu.memory_space<vmem>>, %arg9: memref<128x128xf32, #tpu.memory_space<vmem>>, %arg10: memref<10240x128xf32, #tpu.memory_space<vmem_shared>>) attributes {dimension_semantics = [#tpu.dimension_semantics<core_parallel>, #tpu.dimension_semantics<subcore_parallel>], iteration_bounds = array<i64: 2, 16>, scalar_prefetch = 0 : i64, scratch_operands = 4 : i64, tpu.core_type = #tpu.core_type<sc_vector_subcore>, window_params = [{transform_indices = #map}, {transform_indices = #map1}, {transform_indices = #map1}, {transform_indices = #map}, {transform_indices = #map1}]} {
    %mul3A = arith.constant 2 : i32
    %mul3A_0 = arith.muli %arg1, %mul3A : i32
    %add3A = arith.addi %mul3A_0, %arg0 : i32
    %mul3A_1 = arith.constant 640 : i32
    %mul3A_2 = arith.muli %arg1, %mul3A_1 : i32
    "tpu.region"() ({
      %run_scoped3A = tpu.sem_alloc : memref<!tpu.dma_semaphore, #tpu.memory_space<semaphore_mem>>
      %dma_start3A = arith.constant 0 : i32
      %dma_start3A_12 = tpu.memref_slice %arg10[%mul3A_2, %dma_start3A] : memref<10240x128xf32, #tpu.memory_space<vmem_shared>> -> memref<640x128xf32, #tpu.memory_space<vmem_shared>>
      tpu.enqueue_dma source(%arg5 : memref<640x128xf32, #tpu.memory_space<hbm>>) target(%dma_start3A_12 : memref<640x128xf32, #tpu.memory_space<vmem_shared>>) target_semaphore(%run_scoped3A : memref<!tpu.dma_semaphore, #tpu.memory_space<semaphore_mem>>)
      %dma_wait3A = arith.constant 0 : i32
      %dma_wait3A_13 = tpu.memref_slice %arg10[%mul3A_2, %dma_wait3A] : memref<10240x128xf32, #tpu.memory_space<vmem_shared>> -> memref<640x128xf32, #tpu.memory_space<vmem_shared>>
      tpu.wait_dma2 semaphore(%run_scoped3A : memref<!tpu.dma_semaphore, #tpu.memory_space<semaphore_mem>>) src(%arg5 : memref<640x128xf32, #tpu.memory_space<hbm>>) dst(%dma_wait3A_13 : memref<640x128xf32, #tpu.memory_space<vmem_shared>>)
      tpu.yield
    }) : () -> ()
    "tpu.region"() ({
      %run_scoped3A = tpu.sem_alloc : memref<!tpu.dma_semaphore, #tpu.memory_space<semaphore_mem>>
      %dma_start3A = arith.constant 0 : i32
      %dma_start3A_12 = arith.constant 0 : i32
      %dma_start3A_13 = tpu.memref_slice %arg3[%add3A, %dma_start3A, %dma_start3A_12] : memref<32x79x128xi32, #tpu.memory_space<hbm>> -> memref<1x79x128xi32, #tpu.memory_space<hbm>>
      %dma_start3A_14 = tpu.memref_squeeze %dma_start3A_13 : memref<1x79x128xi32, #tpu.memory_space<hbm>> -> memref<79x128xi32, #tpu.memory_space<hbm>>
      %dma_start3A_15 = arith.constant 0 : i32
      %dma_start3A_16 = arith.constant 0 : i32
      %dma_start3A_17 = tpu.memref_slice %arg3[%add3A, %dma_start3A_15, %dma_start3A_16] : memref<32x79x128xi32, #tpu.memory_space<hbm>> -> memref<1x79x128xi32, #tpu.memory_space<hbm>>
      %dma_start3A_18 = tpu.memref_squeeze %dma_start3A_17 : memref<1x79x128xi32, #tpu.memory_space<hbm>> -> memref<79x128xi32, #tpu.memory_space<hbm>>
      tpu.enqueue_dma source(%dma_start3A_18 : memref<79x128xi32, #tpu.memory_space<hbm>>) target(%arg7 : memref<79x128xi32, #tpu.memory_space<vmem>>) target_semaphore(%run_scoped3A : memref<!tpu.dma_semaphore, #tpu.memory_space<semaphore_mem>>)
      %dma_wait3A = arith.constant 0 : i32
      %dma_wait3A_19 = arith.constant 0 : i32
      %dma_wait3A_20 = tpu.memref_slice %arg3[%add3A, %dma_wait3A, %dma_wait3A_19] : memref<32x79x128xi32, #tpu.memory_space<hbm>> -> memref<1x79x128xi32, #tpu.memory_space<hbm>>
      %dma_wait3A_21 = tpu.memref_squeeze %dma_wait3A_20 : memref<1x79x128xi32, #tpu.memory_space<hbm>> -> memref<79x128xi32, #tpu.memory_space<hbm>>
      %dma_wait3A_22 = arith.constant 0 : i32
      %dma_wait3A_23 = arith.constant 0 : i32
      %dma_wait3A_24 = tpu.memref_slice %arg3[%add3A, %dma_wait3A_22, %dma_wait3A_23] : memref<32x79x128xi32, #tpu.memory_space<hbm>> -> memref<1x79x128xi32, #tpu.memory_space<hbm>>
      %dma_wait3A_25 = tpu.memref_squeeze %dma_wait3A_24 : memref<1x79x128xi32, #tpu.memory_space<hbm>> -> memref<79x128xi32, #tpu.memory_space<hbm>>
      tpu.wait_dma2 semaphore(%run_scoped3A : memref<!tpu.dma_semaphore, #tpu.memory_space<semaphore_mem>>) src(%dma_wait3A_25 : memref<79x128xi32, #tpu.memory_space<hbm>>) dst(%arg7 : memref<79x128xi32, #tpu.memory_space<vmem>>)
      tpu.yield
    }) : () -> ()
    "tpu.region"() ({
      %run_scoped3A = tpu.sem_alloc : memref<!tpu.dma_semaphore, #tpu.memory_space<semaphore_mem>>
      %dma_start3A = arith.constant 0 : i32
      %dma_start3A_12 = arith.constant 0 : i32
      %dma_start3A_13 = tpu.memref_slice %arg4[%add3A, %dma_start3A, %dma_start3A_12] : memref<32x79x128xi32, #tpu.memory_space<hbm>> -> memref<1x79x128xi32, #tpu.memory_space<hbm>>
      %dma_start3A_14 = tpu.memref_squeeze %dma_start3A_13 : memref<1x79x128xi32, #tpu.memory_space<hbm>> -> memref<79x128xi32, #tpu.memory_space<hbm>>
      %dma_start3A_15 = arith.constant 0 : i32
      %dma_start3A_16 = arith.constant 0 : i32
      %dma_start3A_17 = tpu.memref_slice %arg4[%add3A, %dma_start3A_15, %dma_start3A_16] : memref<32x79x128xi32, #tpu.memory_space<hbm>> -> memref<1x79x128xi32, #tpu.memory_space<hbm>>
      %dma_start3A_18 = tpu.memref_squeeze %dma_start3A_17 : memref<1x79x128xi32, #tpu.memory_space<hbm>> -> memref<79x128xi32, #tpu.memory_space<hbm>>
      tpu.enqueue_dma source(%dma_start3A_18 : memref<79x128xi32, #tpu.memory_space<hbm>>) target(%arg8 : memref<79x128xi32, #tpu.memory_space<vmem>>) target_semaphore(%run_scoped3A : memref<!tpu.dma_semaphore, #tpu.memory_space<semaphore_mem>>)
      %dma_wait3A = arith.constant 0 : i32
      %dma_wait3A_19 = arith.constant 0 : i32
      %dma_wait3A_20 = tpu.memref_slice %arg4[%add3A, %dma_wait3A, %dma_wait3A_19] : memref<32x79x128xi32, #tpu.memory_space<hbm>> -> memref<1x79x128xi32, #tpu.memory_space<hbm>>
      %dma_wait3A_21 = tpu.memref_squeeze %dma_wait3A_20 : memref<1x79x128xi32, #tpu.memory_space<hbm>> -> memref<79x128xi32, #tpu.memory_space<hbm>>
      %dma_wait3A_22 = arith.constant 0 : i32
      %dma_wait3A_23 = arith.constant 0 : i32
      %dma_wait3A_24 = tpu.memref_slice %arg4[%add3A, %dma_wait3A_22, %dma_wait3A_23] : memref<32x79x128xi32, #tpu.memory_space<hbm>> -> memref<1x79x128xi32, #tpu.memory_space<hbm>>
      %dma_wait3A_25 = tpu.memref_squeeze %dma_wait3A_24 : memref<1x79x128xi32, #tpu.memory_space<hbm>> -> memref<79x128xi32, #tpu.memory_space<hbm>>
      tpu.wait_dma2 semaphore(%run_scoped3A : memref<!tpu.dma_semaphore, #tpu.memory_space<semaphore_mem>>) src(%dma_wait3A_25 : memref<79x128xi32, #tpu.memory_space<hbm>>) dst(%arg8 : memref<79x128xi32, #tpu.memory_space<vmem>>)
      tpu.yield
    }) : () -> ()
    %barrier3A = arith.constant 0 : index
    tpu.barrier barrier_id(%barrier3A)
    %scan3A = arith.constant 0 : i32
    %scan3A_3 = arith.constant 79 : i32
    %scan3A_4 = arith.addi %scan3A, %scan3A_3 : i32
    %scan3A_5 = arith.constant 1 : i32
    scf.for %scan3A_12 = %scan3A to %scan3A_4 step %scan3A_5  : i32 {
      %mul3A_13 = arith.constant 1 : i32
      %mul3A_14 = arith.muli %scan3A_12, %mul3A_13 : i32
      %add3A_15 = arith.constant 0 : i32
      %add3A_16 = arith.addi %add3A_15, %mul3A_14 : i32
      "tpu.region"() ({
        %run_scoped3A = tpu.sem_alloc : memref<!tpu.dma_semaphore, #tpu.memory_space<semaphore_mem>>
        %dma_start3A = arith.constant 0 : i32
        %dma_start3A_17 = tpu.memref_slice %arg7[%add3A_16, %dma_start3A] : memref<79x128xi32, #tpu.memory_space<vmem>> -> memref<1x128xi32, #tpu.memory_space<vmem>>
        %dma_start3A_18 = tpu.memref_squeeze %dma_start3A_17 : memref<1x128xi32, #tpu.memory_space<vmem>> -> memref<128xi32, #tpu.memory_space<vmem>>
        %dma_start3A_19 = arith.constant 0 : i32
        %dma_start3A_20 = arith.constant 0 : i32
        %dma_start3A_21 = tpu.memref_slice %arg2[%dma_start3A_19, %dma_start3A_20] : memref<10000x128xf32, #tpu.memory_space<hbm>> -> memref<10000x128xf32, #tpu.memory_space<hbm>>
        tpu.enqueue_indirect_dma source(%dma_start3A_21 : memref<10000x128xf32, #tpu.memory_space<hbm>>) target(%arg9 : memref<128x128xf32, #tpu.memory_space<vmem>>) offsets(%dma_start3A_18 : memref<128xi32, #tpu.memory_space<vmem>>) semaphore(%run_scoped3A : memref<!tpu.dma_semaphore, #tpu.memory_space<semaphore_mem>>)
        %dma_wait3A = arith.constant 0 : i32
        %dma_wait3A_22 = tpu.memref_slice %arg7[%add3A_16, %dma_wait3A] : memref<79x128xi32, #tpu.memory_space<vmem>> -> memref<1x128xi32, #tpu.memory_space<vmem>>
        %dma_wait3A_23 = tpu.memref_squeeze %dma_wait3A_22 : memref<1x128xi32, #tpu.memory_space<vmem>> -> memref<128xi32, #tpu.memory_space<vmem>>
        %dma_wait3A_24 = arith.constant 0 : i32
        %dma_wait3A_25 = arith.constant 0 : i32
        %dma_wait3A_26 = tpu.memref_slice %arg2[%dma_wait3A_24, %dma_wait3A_25] : memref<10000x128xf32, #tpu.memory_space<hbm>> -> memref<10000x128xf32, #tpu.memory_space<hbm>>
        tpu.wait_indirect_dma semaphore(%run_scoped3A : memref<!tpu.dma_semaphore, #tpu.memory_space<semaphore_mem>>) src(%dma_wait3A_26 : memref<10000x128xf32, #tpu.memory_space<hbm>>) dst(%arg9 : memref<128x128xf32, #tpu.memory_space<vmem>>)
        tpu.yield
      }) : () -> ()
      "tpu.region"() ({
        %run_scoped3A = tpu.sem_alloc : memref<!tpu.dma_semaphore, #tpu.memory_space<semaphore_mem>>
        %dma_start3A = arith.constant 0 : i32
        %dma_start3A_17 = tpu.memref_slice %arg8[%add3A_16, %dma_start3A] : memref<79x128xi32, #tpu.memory_space<vmem>> -> memref<1x128xi32, #tpu.memory_space<vmem>>
        %dma_start3A_18 = tpu.memref_squeeze %dma_start3A_17 : memref<1x128xi32, #tpu.memory_space<vmem>> -> memref<128xi32, #tpu.memory_space<vmem>>
        %dma_start3A_19 = arith.constant 0 : i32
        %dma_start3A_20 = arith.constant 0 : i32
        %dma_start3A_21 = tpu.memref_slice %arg10[%dma_start3A_19, %dma_start3A_20] : memref<10240x128xf32, #tpu.memory_space<vmem_shared>> -> memref<10240x128xf32, #tpu.memory_space<vmem_shared>>
        tpu.enqueue_indirect_dma source(%arg9 : memref<128x128xf32, #tpu.memory_space<vmem>>) target(%dma_start3A_21 : memref<10240x128xf32, #tpu.memory_space<vmem_shared>>) offsets(%dma_start3A_18 : memref<128xi32, #tpu.memory_space<vmem>>) semaphore(%run_scoped3A : memref<!tpu.dma_semaphore, #tpu.memory_space<semaphore_mem>>) {add = true}
        %dma_wait3A = arith.constant 0 : i32
        %dma_wait3A_22 = tpu.memref_slice %arg8[%add3A_16, %dma_wait3A] : memref<79x128xi32, #tpu.memory_space<vmem>> -> memref<1x128xi32, #tpu.memory_space<vmem>>
        %dma_wait3A_23 = tpu.memref_squeeze %dma_wait3A_22 : memref<1x128xi32, #tpu.memory_space<vmem>> -> memref<128xi32, #tpu.memory_space<vmem>>
        %dma_wait3A_24 = arith.constant 0 : i32
        %dma_wait3A_25 = arith.constant 0 : i32
        %dma_wait3A_26 = tpu.memref_slice %arg10[%dma_wait3A_24, %dma_wait3A_25] : memref<10240x128xf32, #tpu.memory_space<vmem_shared>> -> memref<10240x128xf32, #tpu.memory_space<vmem_shared>>
        tpu.wait_indirect_dma semaphore(%run_scoped3A : memref<!tpu.dma_semaphore, #tpu.memory_space<semaphore_mem>>) src(%arg9 : memref<128x128xf32, #tpu.memory_space<vmem>>) dst(%dma_wait3A_26 : memref<10240x128xf32, #tpu.memory_space<vmem_shared>>)
        tpu.yield
      }) : () -> ()
    }
    %scan3A_6 = arith.constant 79 : i32
    %barrier3A_7 = arith.constant 0 : index
    tpu.barrier barrier_id(%barrier3A_7)
    %mul3A_8 = arith.constant 640 : i32
    %mul3A_9 = arith.muli %arg1, %mul3A_8 : i32
    %mul3A_10 = arith.constant 640 : i32
    %mul3A_11 = arith.muli %arg1, %mul3A_10 : i32
    "tpu.region"() ({
      %run_scoped3A = tpu.sem_alloc : memref<!tpu.dma_semaphore, #tpu.memory_space<semaphore_mem>>
      %dma_start3A = arith.constant 0 : i32
      %dma_start3A_12 = tpu.memref_slice %arg6[%arg0, %mul3A_11, %dma_start3A] : memref<2x10240x128xf32, #tpu.memory_space<hbm>> -> memref<1x640x128xf32, #tpu.memory_space<hbm>>
      %dma_start3A_13 = tpu.memref_squeeze %dma_start3A_12 : memref<1x640x128xf32, #tpu.memory_space<hbm>> -> memref<640x128xf32, #tpu.memory_space<hbm>>
      %dma_start3A_14 = arith.constant 0 : i32
      %dma_start3A_15 = tpu.memref_slice %arg10[%mul3A_9, %dma_start3A_14] : memref<10240x128xf32, #tpu.memory_space<vmem_shared>> -> memref<640x128xf32, #tpu.memory_space<vmem_shared>>
      tpu.enqueue_dma source(%dma_start3A_15 : memref<640x128xf32, #tpu.memory_space<vmem_shared>>) target(%dma_start3A_13 : memref<640x128xf32, #tpu.memory_space<hbm>>) target_semaphore(%run_scoped3A : memref<!tpu.dma_semaphore, #tpu.memory_space<semaphore_mem>>)
      %dma_wait3A = arith.constant 0 : i32
      %dma_wait3A_16 = tpu.memref_slice %arg6[%arg0, %mul3A_11, %dma_wait3A] : memref<2x10240x128xf32, #tpu.memory_space<hbm>> -> memref<1x640x128xf32, #tpu.memory_space<hbm>>
      %dma_wait3A_17 = tpu.memref_squeeze %dma_wait3A_16 : memref<1x640x128xf32, #tpu.memory_space<hbm>> -> memref<640x128xf32, #tpu.memory_space<hbm>>
      %dma_wait3A_18 = arith.constant 0 : i32
      %dma_wait3A_19 = tpu.memref_slice %arg10[%mul3A_9, %dma_wait3A_18] : memref<10240x128xf32, #tpu.memory_space<vmem_shared>> -> memref<640x128xf32, #tpu.memory_space<vmem_shared>>
      tpu.wait_dma2 semaphore(%run_scoped3A : memref<!tpu.dma_semaphore, #tpu.memory_space<semaphore_mem>>) src(%dma_wait3A_19 : memref<640x128xf32, #tpu.memory_space<vmem_shared>>) dst(%dma_wait3A_17 : memref<640x128xf32, #tpu.memory_space<hbm>>)
      tpu.yield
    }) : () -> ()
    return
  }
}

module attributes {stable_mosaic.version = 14 : i64} {
  func.func @_mlp_body(%arg0: i32, %arg1: memref<1000x128xf32, #tpu.memory_space<vmem>>, %arg2: memref<2x1000x128xf32, #tpu.memory_space<vmem>>, %arg3: memref<128x128xf32, #tpu.memory_space<vmem>>, %arg4: memref<1x128xf32, #tpu.memory_space<vmem>>, %arg5: memref<128x128xf32, #tpu.memory_space<vmem>>, %arg6: memref<1x128xf32, #tpu.memory_space<vmem>>, %arg7: memref<1000x128xf32, #tpu.memory_space<vmem>>, %arg8: memref<1x128xf32, #tpu.memory_space<vmem>>, %arg9: memref<1x128xf32, #tpu.memory_space<vmem>>) attributes {dimension_semantics = [#tpu.dimension_semantics<arbitrary>], iteration_bounds = array<i64: 10>, scalar_prefetch = 0 : i64, scratch_operands = 0 : i64, tpu.core_type = #tpu.core_type<tc>, window_params = [{transform_indices = @transform_0, window_bounds = array<i64: 1000, 128>}, {transform_indices = @transform_1, window_bounds = array<i64: 2, 1000, 128>}, {pipeline_mode = #tpu.pipeline_mode<synchronous>, transform_indices = @transform_2, window_bounds = array<i64: 128, 128>}, {pipeline_mode = #tpu.pipeline_mode<synchronous>, transform_indices = @transform_3, window_bounds = array<i64: 1, 128>}, {pipeline_mode = #tpu.pipeline_mode<synchronous>, transform_indices = @transform_4, window_bounds = array<i64: 128, 128>}, {pipeline_mode = #tpu.pipeline_mode<synchronous>, transform_indices = @transform_5, window_bounds = array<i64: 1, 128>}, {transform_indices = @transform_6, window_bounds = array<i64: 1000, 128>}, {pipeline_mode = #tpu.pipeline_mode<synchronous>, transform_indices = @transform_7, window_bounds = array<i64: 1, 128>}, {pipeline_mode = #tpu.pipeline_mode<synchronous>, transform_indices = @transform_8, window_bounds = array<i64: 1, 128>}]} {
    %get3A = arith.constant 0 : index
    %get3A_0 = arith.constant 0 : index
    %get3A_1 = vector.load %arg1[%get3A, %get3A_0] : memref<1000x128xf32, #tpu.memory_space<vmem>>, vector<1000x128xf32>
    %get3A_2 = arith.constant 0 : index
    %get3A_3 = arith.constant 0 : index
    %get3A_4 = arith.constant 0 : index
    %get3A_5 = vector.load %arg2[%get3A_2, %get3A_3, %get3A_4] : memref<2x1000x128xf32, #tpu.memory_space<vmem>>, vector<1x1000x128xf32>
    %get3A_6 = vector.shape_cast %get3A_5 : vector<1x1000x128xf32> to vector<1000x128xf32>
    %add3A = arith.addf %get3A_1, %get3A_6 : vector<1000x128xf32>
    %get3A_7 = arith.constant 1 : index
    %get3A_8 = arith.constant 0 : index
    %get3A_9 = arith.constant 0 : index
    %get3A_10 = vector.load %arg2[%get3A_7, %get3A_8, %get3A_9] : memref<2x1000x128xf32, #tpu.memory_space<vmem>>, vector<1x1000x128xf32>
    %get3A_11 = vector.shape_cast %get3A_10 : vector<1x1000x128xf32> to vector<1000x128xf32>
    %add3A_12 = arith.addf %add3A, %get3A_11 : vector<1000x128xf32>
    %get3A_13 = arith.constant 0 : index
    %get3A_14 = arith.constant 0 : index
    %get3A_15 = vector.load %arg3[%get3A_13, %get3A_14] : memref<128x128xf32, #tpu.memory_space<vmem>>, vector<128x128xf32>
    %dot_general3A = arith.constant dense<0.000000e+00> : vector<1000x128xf32>
    %dot_general3A_16 = tpu.matmul %add3A_12, %get3A_15, %dot_general3A {dimension_numbers = #tpu.dot_dimension_numbers<[1], [0], [0], [1], [0, 0, 1, 1], [], []>, transpose_lhs_hint = false} : vector<1000x128xf32>, vector<128x128xf32>, vector<1000x128xf32> -> vector<1000x128xf32>
    %get3A_17 = arith.constant 0 : index
    %get3A_18 = arith.constant 0 : index
    %get3A_19 = vector.load %arg4[%get3A_17, %get3A_18] : memref<1x128xf32, #tpu.memory_space<vmem>>, vector<1x128xf32>
    %add3A_20 = vector.broadcast %get3A_19 : vector<1x128xf32> to vector<1000x128xf32>
    %add3A_21 = arith.addf %dot_general3A_16, %add3A_20 : vector<1000x128xf32>
    %max3A = arith.constant 0.000000e+00 : f32
    %max3A_22 = vector.broadcast %max3A : f32 to vector<1000x128xf32>
    %max3A_23 = arith.maximumf %add3A_21, %max3A_22 : vector<1000x128xf32>
    %get3A_24 = arith.constant 0 : index
    %get3A_25 = arith.constant 0 : index
    %get3A_26 = vector.load %arg5[%get3A_24, %get3A_25] : memref<128x128xf32, #tpu.memory_space<vmem>>, vector<128x128xf32>
    %dot_general3A_27 = arith.constant dense<0.000000e+00> : vector<1000x128xf32>
    %dot_general3A_28 = tpu.matmul %max3A_23, %get3A_26, %dot_general3A_27 {dimension_numbers = #tpu.dot_dimension_numbers<[1], [0], [0], [1], [0, 0, 1, 1], [], []>, transpose_lhs_hint = false} : vector<1000x128xf32>, vector<128x128xf32>, vector<1000x128xf32> -> vector<1000x128xf32>
    %get3A_29 = arith.constant 0 : index
    %get3A_30 = arith.constant 0 : index
    %get3A_31 = vector.load %arg6[%get3A_29, %get3A_30] : memref<1x128xf32, #tpu.memory_space<vmem>>, vector<1x128xf32>
    %add3A_32 = vector.broadcast %get3A_31 : vector<1x128xf32> to vector<1000x128xf32>
    %add3A_33 = arith.addf %dot_general3A_28, %add3A_32 : vector<1000x128xf32>
    %max3A_34 = arith.constant 0.000000e+00 : f32
    %max3A_35 = vector.broadcast %max3A_34 : f32 to vector<1000x128xf32>
    %max3A_36 = arith.maximumf %add3A_33, %max3A_35 : vector<1000x128xf32>
    %swap3A = arith.constant 0 : index
    %swap3A_37 = arith.constant 0 : index
    %swap3A_38 = vector.load %arg7[%swap3A, %swap3A_37] : memref<1000x128xf32, #tpu.memory_space<vmem>>, vector<1000x128xf32>
    tpu.vector_store %arg7[%swap3A, %swap3A_37], %max3A_36 {strides = array<i32>} : memref<1000x128xf32, #tpu.memory_space<vmem>>, vector<1000x128xf32>,
    %eq3A = arith.constant 0 : i32
    %eq3A_39 = arith.cmpi eq, %arg0, %eq3A : i32
    %convert_element_type3A = arith.extui %eq3A_39 : i1 to i32
    %cond3A = arith.constant 0 : i32
    %cond3A_40 = arith.cmpi ne, %convert_element_type3A, %cond3A : i32
    scf.if %cond3A_40 {
      %broadcast_in_dim3A_59 = arith.constant 0.000000e+00 : f32
      %broadcast_in_dim3A_60 = vector.broadcast %broadcast_in_dim3A_59 : f32 to vector<1x128xf32>
      %swap3A_61 = arith.constant 0 : index
      %swap3A_62 = arith.constant 0 : index
      %swap3A_63 = vector.load %arg8[%swap3A_61, %swap3A_62] : memref<1x128xf32, #tpu.memory_space<vmem>>, vector<1x128xf32>
      tpu.vector_store %arg8[%swap3A_61, %swap3A_62], %broadcast_in_dim3A_60 {strides = array<i32>} : memref<1x128xf32, #tpu.memory_space<vmem>>, vector<1x128xf32>,
      %broadcast_in_dim3A_64 = arith.constant 0.000000e+00 : f32
      %broadcast_in_dim3A_65 = vector.broadcast %broadcast_in_dim3A_64 : f32 to vector<1x128xf32>
      %swap3A_66 = arith.constant 0 : index
      %swap3A_67 = arith.constant 0 : index
      %swap3A_68 = vector.load %arg9[%swap3A_66, %swap3A_67] : memref<1x128xf32, #tpu.memory_space<vmem>>, vector<1x128xf32>
      tpu.vector_store %arg9[%swap3A_66, %swap3A_67], %broadcast_in_dim3A_65 {strides = array<i32>} : memref<1x128xf32, #tpu.memory_space<vmem>>, vector<1x128xf32>,
    } else {
    }
    %get3A_41 = arith.constant 0 : index
    %get3A_42 = arith.constant 0 : index
    %get3A_43 = vector.load %arg8[%get3A_41, %get3A_42] : memref<1x128xf32, #tpu.memory_space<vmem>>, vector<1x128xf32>
    %reduce_sum3A = arith.constant dense<0.000000e+00> : vector<128xf32>
    %reduce_sum3A_44 = vector.multi_reduction <add>, %max3A_36, %reduce_sum3A [0] : vector<1000x128xf32> to vector<128xf32>
    %broadcast_in_dim3A = vector.shape_cast %reduce_sum3A_44 : vector<128xf32> to vector<1x128xf32>
    %add3A_45 = arith.addf %get3A_43, %broadcast_in_dim3A : vector<1x128xf32>
    %swap3A_46 = arith.constant 0 : index
    %swap3A_47 = arith.constant 0 : index
    %swap3A_48 = vector.load %arg8[%swap3A_46, %swap3A_47] : memref<1x128xf32, #tpu.memory_space<vmem>>, vector<1x128xf32>
    tpu.vector_store %arg8[%swap3A_46, %swap3A_47], %add3A_45 {strides = array<i32>} : memref<1x128xf32, #tpu.memory_space<vmem>>, vector<1x128xf32>,
    %get3A_49 = arith.constant 0 : index
    %get3A_50 = arith.constant 0 : index
    %get3A_51 = vector.load %arg9[%get3A_49, %get3A_50] : memref<1x128xf32, #tpu.memory_space<vmem>>, vector<1x128xf32>
    %mul3A = arith.mulf %max3A_36, %max3A_36 : vector<1000x128xf32>
    %reduce_sum3A_52 = arith.constant dense<0.000000e+00> : vector<128xf32>
    %reduce_sum3A_53 = vector.multi_reduction <add>, %mul3A, %reduce_sum3A_52 [0] : vector<1000x128xf32> to vector<128xf32>
    %broadcast_in_dim3A_54 = vector.shape_cast %reduce_sum3A_53 : vector<128xf32> to vector<1x128xf32>
    %add3A_55 = arith.addf %get3A_51, %broadcast_in_dim3A_54 : vector<1x128xf32>
    %swap3A_56 = arith.constant 0 : index
    %swap3A_57 = arith.constant 0 : index
    %swap3A_58 = vector.load %arg9[%swap3A_56, %swap3A_57] : memref<1x128xf32, #tpu.memory_space<vmem>>, vector<1x128xf32>
    tpu.vector_store %arg9[%swap3A_56, %swap3A_57], %add3A_55 {strides = array<i32>} : memref<1x128xf32, #tpu.memory_space<vmem>>, vector<1x128xf32>,
    return
  }
  func.func @transform_0(%arg0: i32) -> (i32, i32) {
    %c0_i32 = arith.constant 0 : i32
    %c0_i32_0 = arith.constant 0 : i32
    return %arg0, %c0_i32 : i32, i32
  }
  func.func @transform_1(%arg0: i32) -> (i32, i32, i32) {
    %c0_i32 = arith.constant 0 : i32
    %c0_i32_0 = arith.constant 0 : i32
    %c0_i32_1 = arith.constant 0 : i32
    return %c0_i32, %arg0, %c0_i32_0 : i32, i32, i32
  }
  func.func @transform_2(%arg0: i32) -> (i32, i32) {
    %c0_i32 = arith.constant 0 : i32
    %c0_i32_0 = arith.constant 0 : i32
    %c0_i32_1 = arith.constant 0 : i32
    return %c0_i32, %c0_i32_0 : i32, i32
  }
  func.func @transform_3(%arg0: i32) -> (i32, i32) {
    %c0_i32 = arith.constant 0 : i32
    %c0_i32_0 = arith.constant 0 : i32
    %c0_i32_1 = arith.constant 0 : i32
    return %c0_i32, %c0_i32_0 : i32, i32
  }
  func.func @transform_4(%arg0: i32) -> (i32, i32) {
    %c0_i32 = arith.constant 0 : i32
    %c0_i32_0 = arith.constant 0 : i32
    %c0_i32_1 = arith.constant 0 : i32
    return %c0_i32, %c0_i32_0 : i32, i32
  }
  func.func @transform_5(%arg0: i32) -> (i32, i32) {
    %c0_i32 = arith.constant 0 : i32
    %c0_i32_0 = arith.constant 0 : i32
    %c0_i32_1 = arith.constant 0 : i32
    return %c0_i32, %c0_i32_0 : i32, i32
  }
  func.func @transform_6(%arg0: i32) -> (i32, i32) {
    %c0_i32 = arith.constant 0 : i32
    %c0_i32_0 = arith.constant 0 : i32
    return %arg0, %c0_i32 : i32, i32
  }
  func.func @transform_7(%arg0: i32) -> (i32, i32) {
    %c0_i32 = arith.constant 0 : i32
    %c0_i32_0 = arith.constant 0 : i32
    %c0_i32_1 = arith.constant 0 : i32
    return %c0_i32, %c0_i32_0 : i32, i32
  }
  func.func @transform_8(%arg0: i32) -> (i32, i32) {
    %c0_i32 = arith.constant 0 : i32
    %c0_i32_0 = arith.constant 0 : i32
    %c0_i32_1 = arith.constant 0 : i32
    return %c0_i32, %c0_i32_0 : i32, i32
  }
}

module attributes {stable_mosaic.version = 14 : i64} {
  func.func @_bn_body(%arg0: i32, %arg1: memref<1000x128xf32, #tpu.memory_space<vmem>>, %arg2: memref<1x128xf32, #tpu.memory_space<vmem>>, %arg3: memref<1x128xf32, #tpu.memory_space<vmem>>, %arg4: memref<1x128xf32, #tpu.memory_space<vmem>>, %arg5: memref<1x128xf32, #tpu.memory_space<vmem>>, %arg6: memref<1000x128xf32, #tpu.memory_space<vmem>>) attributes {dimension_semantics = [#tpu.dimension_semantics<arbitrary>], iteration_bounds = array<i64: 10>, scalar_prefetch = 0 : i64, scratch_operands = 0 : i64, tpu.core_type = #tpu.core_type<tc>, window_params = [{transform_indices = @transform_0, window_bounds = array<i64: 1000, 128>}, {pipeline_mode = #tpu.pipeline_mode<synchronous>, transform_indices = @transform_1, window_bounds = array<i64: 1, 128>}, {pipeline_mode = #tpu.pipeline_mode<synchronous>, transform_indices = @transform_2, window_bounds = array<i64: 1, 128>}, {pipeline_mode = #tpu.pipeline_mode<synchronous>, transform_indices = @transform_3, window_bounds = array<i64: 1, 128>}, {pipeline_mode = #tpu.pipeline_mode<synchronous>, transform_indices = @transform_4, window_bounds = array<i64: 1, 128>}, {transform_indices = @transform_5, window_bounds = array<i64: 1000, 128>}]} {
    %get3A = arith.constant 0 : index
    %get3A_0 = arith.constant 0 : index
    %get3A_1 = vector.load %arg2[%get3A, %get3A_0] : memref<1x128xf32, #tpu.memory_space<vmem>>, vector<1x128xf32>
    %mul3A = arith.constant 9.99999974E-5 : f32
    %mul3A_2 = vector.broadcast %mul3A : f32 to vector<1x128xf32>
    %mul3A_3 = arith.mulf %get3A_1, %mul3A_2 : vector<1x128xf32>
    %get3A_4 = arith.constant 0 : index
    %get3A_5 = arith.constant 0 : index
    %get3A_6 = vector.load %arg3[%get3A_4, %get3A_5] : memref<1x128xf32, #tpu.memory_space<vmem>>, vector<1x128xf32>
    %mul3A_7 = arith.constant 9.99999974E-5 : f32
    %mul3A_8 = vector.broadcast %mul3A_7 : f32 to vector<1x128xf32>
    %mul3A_9 = arith.mulf %get3A_6, %mul3A_8 : vector<1x128xf32>
    %mul3A_10 = arith.mulf %mul3A_3, %mul3A_3 : vector<1x128xf32>
    %sub3A = arith.subf %mul3A_9, %mul3A_10 : vector<1x128xf32>
    %get3A_11 = arith.constant 0 : index
    %get3A_12 = arith.constant 0 : index
    %get3A_13 = vector.load %arg4[%get3A_11, %get3A_12] : memref<1x128xf32, #tpu.memory_space<vmem>>, vector<1x128xf32>
    %add3A = arith.constant 9.99999974E-6 : f32
    %add3A_14 = vector.broadcast %add3A : f32 to vector<1x128xf32>
    %add3A_15 = arith.addf %sub3A, %add3A_14 : vector<1x128xf32>
    %rsqrt3A = math.rsqrt %add3A_15 : vector<1x128xf32>
    %mul3A_16 = arith.mulf %get3A_13, %rsqrt3A : vector<1x128xf32>
    %get3A_17 = arith.constant 0 : index
    %get3A_18 = arith.constant 0 : index
    %get3A_19 = vector.load %arg1[%get3A_17, %get3A_18] : memref<1000x128xf32, #tpu.memory_space<vmem>>, vector<1000x128xf32>
    %mul3A_20 = vector.broadcast %mul3A_16 : vector<1x128xf32> to vector<1000x128xf32>
    %mul3A_21 = arith.mulf %get3A_19, %mul3A_20 : vector<1000x128xf32>
    %get3A_22 = arith.constant 0 : index
    %get3A_23 = arith.constant 0 : index
    %get3A_24 = vector.load %arg5[%get3A_22, %get3A_23] : memref<1x128xf32, #tpu.memory_space<vmem>>, vector<1x128xf32>
    %mul3A_25 = arith.mulf %mul3A_3, %mul3A_16 : vector<1x128xf32>
    %sub3A_26 = arith.subf %get3A_24, %mul3A_25 : vector<1x128xf32>
    %add3A_27 = vector.broadcast %sub3A_26 : vector<1x128xf32> to vector<1000x128xf32>
    %add3A_28 = arith.addf %mul3A_21, %add3A_27 : vector<1000x128xf32>
    %swap3A = arith.constant 0 : index
    %swap3A_29 = arith.constant 0 : index
    %swap3A_30 = vector.load %arg6[%swap3A, %swap3A_29] : memref<1000x128xf32, #tpu.memory_space<vmem>>, vector<1000x128xf32>
    tpu.vector_store %arg6[%swap3A, %swap3A_29], %add3A_28 {strides = array<i32>} : memref<1000x128xf32, #tpu.memory_space<vmem>>, vector<1000x128xf32>,
    return
  }
  func.func @transform_0(%arg0: i32) -> (i32, i32) {
    %c0_i32 = arith.constant 0 : i32
    %c0_i32_0 = arith.constant 0 : i32
    return %arg0, %c0_i32 : i32, i32
  }
  func.func @transform_1(%arg0: i32) -> (i32, i32) {
    %c0_i32 = arith.constant 0 : i32
    %c0_i32_0 = arith.constant 0 : i32
    %c0_i32_1 = arith.constant 0 : i32
    return %c0_i32, %c0_i32_0 : i32, i32
  }
  func.func @transform_2(%arg0: i32) -> (i32, i32) {
    %c0_i32 = arith.constant 0 : i32
    %c0_i32_0 = arith.constant 0 : i32
    %c0_i32_1 = arith.constant 0 : i32
    return %c0_i32, %c0_i32_0 : i32, i32
  }
  func.func @transform_3(%arg0: i32) -> (i32, i32) {
    %c0_i32 = arith.constant 0 : i32
    %c0_i32_0 = arith.constant 0 : i32
    %c0_i32_1 = arith.constant 0 : i32
    return %c0_i32, %c0_i32_0 : i32, i32
  }
  func.func @transform_4(%arg0: i32) -> (i32, i32) {
    %c0_i32 = arith.constant 0 : i32
    %c0_i32_0 = arith.constant 0 : i32
    %c0_i32_1 = arith.constant 0 : i32
    return %c0_i32, %c0_i32_0 : i32, i32
  }
  func.func @transform_5(%arg0: i32) -> (i32, i32) {
    %c0_i32 = arith.constant 0 : i32
    %c0_i32_0 = arith.constant 0 : i32
    return %arg0, %c0_i32 : i32, i32
  }
}

module attributes {stable_mosaic.version = 14 : i64} {
  func.func @_head_body(%arg0: i32, %arg1: memref<1000x128xf32, #tpu.memory_space<vmem>>, %arg2: memref<128x128xf32, #tpu.memory_space<vmem>>, %arg3: memref<1x128xf32, #tpu.memory_space<vmem>>, %arg4: memref<128x128xf32, #tpu.memory_space<vmem>>, %arg5: memref<1x128xf32, #tpu.memory_space<vmem>>, %arg6: memref<1000x128xf32, #tpu.memory_space<vmem>>, %arg7: memref<1000x128xf32, #tpu.memory_space<vmem>>, %arg8: memref<1x128xf32, #tpu.memory_space<vmem>>, %arg9: memref<1x128xf32, #tpu.memory_space<vmem>>, %arg10: memref<1x128xf32, #tpu.memory_space<vmem>>, %arg11: memref<1x128xf32, #tpu.memory_space<vmem>>) attributes {dimension_semantics = [#tpu.dimension_semantics<arbitrary>], iteration_bounds = array<i64: 10>, scalar_prefetch = 0 : i64, scratch_operands = 0 : i64, tpu.core_type = #tpu.core_type<tc>, window_params = [{transform_indices = @transform_0, window_bounds = array<i64: 1000, 128>}, {pipeline_mode = #tpu.pipeline_mode<synchronous>, transform_indices = @transform_1, window_bounds = array<i64: 128, 128>}, {pipeline_mode = #tpu.pipeline_mode<synchronous>, transform_indices = @transform_2, window_bounds = array<i64: 1, 128>}, {pipeline_mode = #tpu.pipeline_mode<synchronous>, transform_indices = @transform_3, window_bounds = array<i64: 128, 128>}, {pipeline_mode = #tpu.pipeline_mode<synchronous>, transform_indices = @transform_4, window_bounds = array<i64: 1, 128>}, {transform_indices = @transform_5, window_bounds = array<i64: 1000, 128>}, {transform_indices = @transform_6, window_bounds = array<i64: 1000, 128>}, {pipeline_mode = #tpu.pipeline_mode<synchronous>, transform_indices = @transform_7, window_bounds = array<i64: 1, 128>}, {pipeline_mode = #tpu.pipeline_mode<synchronous>, transform_indices = @transform_8, window_bounds = array<i64: 1, 128>}, {pipeline_mode = #tpu.pipeline_mode<synchronous>, transform_indices = @transform_9, window_bounds = array<i64: 1, 128>}, {pipeline_mode = #tpu.pipeline_mode<synchronous>, transform_indices = @transform_10, window_bounds = array<i64: 1, 128>}]} {
    %get3A = arith.constant 0 : index
    %get3A_0 = arith.constant 0 : index
    %get3A_1 = vector.load %arg1[%get3A, %get3A_0] : memref<1000x128xf32, #tpu.memory_space<vmem>>, vector<1000x128xf32>
    %get3A_2 = arith.constant 0 : index
    %get3A_3 = arith.constant 0 : index
    %get3A_4 = vector.load %arg2[%get3A_2, %get3A_3] : memref<128x128xf32, #tpu.memory_space<vmem>>, vector<128x128xf32>
    %dot_general3A = arith.constant dense<0.000000e+00> : vector<1000x128xf32>
    %dot_general3A_5 = tpu.matmul %get3A_1, %get3A_4, %dot_general3A {dimension_numbers = #tpu.dot_dimension_numbers<[1], [0], [0], [1], [0, 0, 1, 1], [], []>, transpose_lhs_hint = false} : vector<1000x128xf32>, vector<128x128xf32>, vector<1000x128xf32> -> vector<1000x128xf32>
    %get3A_6 = arith.constant 0 : index
    %get3A_7 = arith.constant 0 : index
    %get3A_8 = vector.load %arg3[%get3A_6, %get3A_7] : memref<1x128xf32, #tpu.memory_space<vmem>>, vector<1x128xf32>
    %add3A = vector.broadcast %get3A_8 : vector<1x128xf32> to vector<1000x128xf32>
    %add3A_9 = arith.addf %dot_general3A_5, %add3A : vector<1000x128xf32>
    %max3A = arith.constant 0.000000e+00 : f32
    %max3A_10 = vector.broadcast %max3A : f32 to vector<1000x128xf32>
    %max3A_11 = arith.maximumf %add3A_9, %max3A_10 : vector<1000x128xf32>
    %get3A_12 = arith.constant 0 : index
    %get3A_13 = arith.constant 0 : index
    %get3A_14 = vector.load %arg4[%get3A_12, %get3A_13] : memref<128x128xf32, #tpu.memory_space<vmem>>, vector<128x128xf32>
    %dot_general3A_15 = arith.constant dense<0.000000e+00> : vector<1000x128xf32>
    %dot_general3A_16 = tpu.matmul %get3A_1, %get3A_14, %dot_general3A_15 {dimension_numbers = #tpu.dot_dimension_numbers<[1], [0], [0], [1], [0, 0, 1, 1], [], []>, transpose_lhs_hint = false} : vector<1000x128xf32>, vector<128x128xf32>, vector<1000x128xf32> -> vector<1000x128xf32>
    %get3A_17 = arith.constant 0 : index
    %get3A_18 = arith.constant 0 : index
    %get3A_19 = vector.load %arg5[%get3A_17, %get3A_18] : memref<1x128xf32, #tpu.memory_space<vmem>>, vector<1x128xf32>
    %add3A_20 = vector.broadcast %get3A_19 : vector<1x128xf32> to vector<1000x128xf32>
    %add3A_21 = arith.addf %dot_general3A_16, %add3A_20 : vector<1000x128xf32>
    %max3A_22 = arith.constant 0.000000e+00 : f32
    %max3A_23 = vector.broadcast %max3A_22 : f32 to vector<1000x128xf32>
    %max3A_24 = arith.maximumf %add3A_21, %max3A_23 : vector<1000x128xf32>
    %swap3A = arith.constant 0 : index
    %swap3A_25 = arith.constant 0 : index
    %swap3A_26 = vector.load %arg6[%swap3A, %swap3A_25] : memref<1000x128xf32, #tpu.memory_space<vmem>>, vector<1000x128xf32>
    tpu.vector_store %arg6[%swap3A, %swap3A_25], %max3A_11 {strides = array<i32>} : memref<1000x128xf32, #tpu.memory_space<vmem>>, vector<1000x128xf32>,
    %swap3A_27 = arith.constant 0 : index
    %swap3A_28 = arith.constant 0 : index
    %swap3A_29 = vector.load %arg7[%swap3A_27, %swap3A_28] : memref<1000x128xf32, #tpu.memory_space<vmem>>, vector<1000x128xf32>
    tpu.vector_store %arg7[%swap3A_27, %swap3A_28], %max3A_24 {strides = array<i32>} : memref<1000x128xf32, #tpu.memory_space<vmem>>, vector<1000x128xf32>,
    %eq3A = arith.constant 0 : i32
    %eq3A_30 = arith.cmpi eq, %arg0, %eq3A : i32
    %convert_element_type3A = arith.extui %eq3A_30 : i1 to i32
    %cond3A = arith.constant 0 : i32
    %cond3A_31 = arith.cmpi ne, %convert_element_type3A, %cond3A : i32
    scf.if %cond3A_31 {
      %broadcast_in_dim3A_71 = arith.constant 0.000000e+00 : f32
      %broadcast_in_dim3A_72 = vector.broadcast %broadcast_in_dim3A_71 : f32 to vector<1x128xf32>
      %swap3A_73 = arith.constant 0 : index
      %swap3A_74 = arith.constant 0 : index
      %swap3A_75 = vector.load %arg8[%swap3A_73, %swap3A_74] : memref<1x128xf32, #tpu.memory_space<vmem>>, vector<1x128xf32>
      tpu.vector_store %arg8[%swap3A_73, %swap3A_74], %broadcast_in_dim3A_72 {strides = array<i32>} : memref<1x128xf32, #tpu.memory_space<vmem>>, vector<1x128xf32>,
      %broadcast_in_dim3A_76 = arith.constant 0.000000e+00 : f32
      %broadcast_in_dim3A_77 = vector.broadcast %broadcast_in_dim3A_76 : f32 to vector<1x128xf32>
      %swap3A_78 = arith.constant 0 : index
      %swap3A_79 = arith.constant 0 : index
      %swap3A_80 = vector.load %arg9[%swap3A_78, %swap3A_79] : memref<1x128xf32, #tpu.memory_space<vmem>>, vector<1x128xf32>
      tpu.vector_store %arg9[%swap3A_78, %swap3A_79], %broadcast_in_dim3A_77 {strides = array<i32>} : memref<1x128xf32, #tpu.memory_space<vmem>>, vector<1x128xf32>,
      %broadcast_in_dim3A_81 = arith.constant 0.000000e+00 : f32
      %broadcast_in_dim3A_82 = vector.broadcast %broadcast_in_dim3A_81 : f32 to vector<1x128xf32>
      %swap3A_83 = arith.constant 0 : index
      %swap3A_84 = arith.constant 0 : index
      %swap3A_85 = vector.load %arg10[%swap3A_83, %swap3A_84] : memref<1x128xf32, #tpu.memory_space<vmem>>, vector<1x128xf32>
      tpu.vector_store %arg10[%swap3A_83, %swap3A_84], %broadcast_in_dim3A_82 {strides = array<i32>} : memref<1x128xf32, #tpu.memory_space<vmem>>, vector<1x128xf32>,
      %broadcast_in_dim3A_86 = arith.constant 0.000000e+00 : f32
      %broadcast_in_dim3A_87 = vector.broadcast %broadcast_in_dim3A_86 : f32 to vector<1x128xf32>
      %swap3A_88 = arith.constant 0 : index
      %swap3A_89 = arith.constant 0 : index
      %swap3A_90 = vector.load %arg11[%swap3A_88, %swap3A_89] : memref<1x128xf32, #tpu.memory_space<vmem>>, vector<1x128xf32>
      tpu.vector_store %arg11[%swap3A_88, %swap3A_89], %broadcast_in_dim3A_87 {strides = array<i32>} : memref<1x128xf32, #tpu.memory_space<vmem>>, vector<1x128xf32>,
    } else {
    }
    %get3A_32 = arith.constant 0 : index
    %get3A_33 = arith.constant 0 : index
    %get3A_34 = vector.load %arg8[%get3A_32, %get3A_33] : memref<1x128xf32, #tpu.memory_space<vmem>>, vector<1x128xf32>
    %reduce_sum3A = arith.constant dense<0.000000e+00> : vector<128xf32>
    %reduce_sum3A_35 = vector.multi_reduction <add>, %max3A_11, %reduce_sum3A [0] : vector<1000x128xf32> to vector<128xf32>
    %broadcast_in_dim3A = vector.shape_cast %reduce_sum3A_35 : vector<128xf32> to vector<1x128xf32>
    %add3A_36 = arith.addf %get3A_34, %broadcast_in_dim3A : vector<1x128xf32>
    %swap3A_37 = arith.constant 0 : index
    %swap3A_38 = arith.constant 0 : index
    %swap3A_39 = vector.load %arg8[%swap3A_37, %swap3A_38] : memref<1x128xf32, #tpu.memory_space<vmem>>, vector<1x128xf32>
    tpu.vector_store %arg8[%swap3A_37, %swap3A_38], %add3A_36 {strides = array<i32>} : memref<1x128xf32, #tpu.memory_space<vmem>>, vector<1x128xf32>,
    %get3A_40 = arith.constant 0 : index
    %get3A_41 = arith.constant 0 : index
    %get3A_42 = vector.load %arg9[%get3A_40, %get3A_41] : memref<1x128xf32, #tpu.memory_space<vmem>>, vector<1x128xf32>
    %mul3A = arith.mulf %max3A_11, %max3A_11 : vector<1000x128xf32>
    %reduce_sum3A_43 = arith.constant dense<0.000000e+00> : vector<128xf32>
    %reduce_sum3A_44 = vector.multi_reduction <add>, %mul3A, %reduce_sum3A_43 [0] : vector<1000x128xf32> to vector<128xf32>
    %broadcast_in_dim3A_45 = vector.shape_cast %reduce_sum3A_44 : vector<128xf32> to vector<1x128xf32>
    %add3A_46 = arith.addf %get3A_42, %broadcast_in_dim3A_45 : vector<1x128xf32>
    %swap3A_47 = arith.constant 0 : index
    %swap3A_48 = arith.constant 0 : index
    %swap3A_49 = vector.load %arg9[%swap3A_47, %swap3A_48] : memref<1x128xf32, #tpu.memory_space<vmem>>, vector<1x128xf32>
    tpu.vector_store %arg9[%swap3A_47, %swap3A_48], %add3A_46 {strides = array<i32>} : memref<1x128xf32, #tpu.memory_space<vmem>>, vector<1x128xf32>,
    %get3A_50 = arith.constant 0 : index
    %get3A_51 = arith.constant 0 : index
    %get3A_52 = vector.load %arg10[%get3A_50, %get3A_51] : memref<1x128xf32, #tpu.memory_space<vmem>>, vector<1x128xf32>
    %reduce_sum3A_53 = arith.constant dense<0.000000e+00> : vector<128xf32>
    %reduce_sum3A_54 = vector.multi_reduction <add>, %max3A_24, %reduce_sum3A_53 [0] : vector<1000x128xf32> to vector<128xf32>
    %broadcast_in_dim3A_55 = vector.shape_cast %reduce_sum3A_54 : vector<128xf32> to vector<1x128xf32>
    %add3A_56 = arith.addf %get3A_52, %broadcast_in_dim3A_55 : vector<1x128xf32>
    %swap3A_57 = arith.constant 0 : index
    %swap3A_58 = arith.constant 0 : index
    %swap3A_59 = vector.load %arg10[%swap3A_57, %swap3A_58] : memref<1x128xf32, #tpu.memory_space<vmem>>, vector<1x128xf32>
    tpu.vector_store %arg10[%swap3A_57, %swap3A_58], %add3A_56 {strides = array<i32>} : memref<1x128xf32, #tpu.memory_space<vmem>>, vector<1x128xf32>,
    %get3A_60 = arith.constant 0 : index
    %get3A_61 = arith.constant 0 : index
    %get3A_62 = vector.load %arg11[%get3A_60, %get3A_61] : memref<1x128xf32, #tpu.memory_space<vmem>>, vector<1x128xf32>
    %mul3A_63 = arith.mulf %max3A_24, %max3A_24 : vector<1000x128xf32>
    %reduce_sum3A_64 = arith.constant dense<0.000000e+00> : vector<128xf32>
    %reduce_sum3A_65 = vector.multi_reduction <add>, %mul3A_63, %reduce_sum3A_64 [0] : vector<1000x128xf32> to vector<128xf32>
    %broadcast_in_dim3A_66 = vector.shape_cast %reduce_sum3A_65 : vector<128xf32> to vector<1x128xf32>
    %add3A_67 = arith.addf %get3A_62, %broadcast_in_dim3A_66 : vector<1x128xf32>
    %swap3A_68 = arith.constant 0 : index
    %swap3A_69 = arith.constant 0 : index
    %swap3A_70 = vector.load %arg11[%swap3A_68, %swap3A_69] : memref<1x128xf32, #tpu.memory_space<vmem>>, vector<1x128xf32>
    tpu.vector_store %arg11[%swap3A_68, %swap3A_69], %add3A_67 {strides = array<i32>} : memref<1x128xf32, #tpu.memory_space<vmem>>, vector<1x128xf32>,
    return
  }
  func.func @transform_0(%arg0: i32) -> (i32, i32) {
    %c0_i32 = arith.constant 0 : i32
    %c0_i32_0 = arith.constant 0 : i32
    return %arg0, %c0_i32 : i32, i32
  }
  func.func @transform_1(%arg0: i32) -> (i32, i32) {
    %c0_i32 = arith.constant 0 : i32
    %c0_i32_0 = arith.constant 0 : i32
    %c0_i32_1 = arith.constant 0 : i32
    return %c0_i32, %c0_i32_0 : i32, i32
  }
  func.func @transform_2(%arg0: i32) -> (i32, i32) {
    %c0_i32 = arith.constant 0 : i32
    %c0_i32_0 = arith.constant 0 : i32
    %c0_i32_1 = arith.constant 0 : i32
    return %c0_i32, %c0_i32_0 : i32, i32
  }
  func.func @transform_3(%arg0: i32) -> (i32, i32) {
    %c0_i32 = arith.constant 0 : i32
    %c0_i32_0 = arith.constant 0 : i32
    %c0_i32_1 = arith.constant 0 : i32
    return %c0_i32, %c0_i32_0 : i32, i32
  }
  func.func @transform_4(%arg0: i32) -> (i32, i32) {
    %c0_i32 = arith.constant 0 : i32
    %c0_i32_0 = arith.constant 0 : i32
    %c0_i32_1 = arith.constant 0 : i32
    return %c0_i32, %c0_i32_0 : i32, i32
  }
  func.func @transform_5(%arg0: i32) -> (i32, i32) {
    %c0_i32 = arith.constant 0 : i32
    %c0_i32_0 = arith.constant 0 : i32
    return %arg0, %c0_i32 : i32, i32
  }
  func.func @transform_6(%arg0: i32) -> (i32, i32) {
    %c0_i32 = arith.constant 0 : i32
    %c0_i32_0 = arith.constant 0 : i32
    return %arg0, %c0_i32 : i32, i32
  }
  func.func @transform_7(%arg0: i32) -> (i32, i32) {
    %c0_i32 = arith.constant 0 : i32
    %c0_i32_0 = arith.constant 0 : i32
    %c0_i32_1 = arith.constant 0 : i32
    return %c0_i32, %c0_i32_0 : i32, i32
  }
  func.func @transform_8(%arg0: i32) -> (i32, i32) {
    %c0_i32 = arith.constant 0 : i32
    %c0_i32_0 = arith.constant 0 : i32
    %c0_i32_1 = arith.constant 0 : i32
    return %c0_i32, %c0_i32_0 : i32, i32
  }
  func.func @transform_9(%arg0: i32) -> (i32, i32) {
    %c0_i32 = arith.constant 0 : i32
    %c0_i32_0 = arith.constant 0 : i32
    %c0_i32_1 = arith.constant 0 : i32
    return %c0_i32, %c0_i32_0 : i32, i32
  }
  func.func @transform_10(%arg0: i32) -> (i32, i32) {
    %c0_i32 = arith.constant 0 : i32
    %c0_i32_0 = arith.constant 0 : i32
    %c0_i32_1 = arith.constant 0 : i32
    return %c0_i32, %c0_i32_0 : i32, i32
  }
}

module attributes {stable_mosaic.version = 14 : i64} {
  func.func @_bn_body(%arg0: i32, %arg1: memref<1000x128xf32, #tpu.memory_space<vmem>>, %arg2: memref<1x128xf32, #tpu.memory_space<vmem>>, %arg3: memref<1x128xf32, #tpu.memory_space<vmem>>, %arg4: memref<1x128xf32, #tpu.memory_space<vmem>>, %arg5: memref<1x128xf32, #tpu.memory_space<vmem>>, %arg6: memref<1000x128xf32, #tpu.memory_space<vmem>>) attributes {dimension_semantics = [#tpu.dimension_semantics<arbitrary>], iteration_bounds = array<i64: 10>, scalar_prefetch = 0 : i64, scratch_operands = 0 : i64, tpu.core_type = #tpu.core_type<tc>, window_params = [{transform_indices = @transform_0, window_bounds = array<i64: 1000, 128>}, {pipeline_mode = #tpu.pipeline_mode<synchronous>, transform_indices = @transform_1, window_bounds = array<i64: 1, 128>}, {pipeline_mode = #tpu.pipeline_mode<synchronous>, transform_indices = @transform_2, window_bounds = array<i64: 1, 128>}, {pipeline_mode = #tpu.pipeline_mode<synchronous>, transform_indices = @transform_3, window_bounds = array<i64: 1, 128>}, {pipeline_mode = #tpu.pipeline_mode<synchronous>, transform_indices = @transform_4, window_bounds = array<i64: 1, 128>}, {transform_indices = @transform_5, window_bounds = array<i64: 1000, 128>}]} {
    %get3A = arith.constant 0 : index
    %get3A_0 = arith.constant 0 : index
    %get3A_1 = vector.load %arg2[%get3A, %get3A_0] : memref<1x128xf32, #tpu.memory_space<vmem>>, vector<1x128xf32>
    %mul3A = arith.constant 9.99999974E-5 : f32
    %mul3A_2 = vector.broadcast %mul3A : f32 to vector<1x128xf32>
    %mul3A_3 = arith.mulf %get3A_1, %mul3A_2 : vector<1x128xf32>
    %get3A_4 = arith.constant 0 : index
    %get3A_5 = arith.constant 0 : index
    %get3A_6 = vector.load %arg3[%get3A_4, %get3A_5] : memref<1x128xf32, #tpu.memory_space<vmem>>, vector<1x128xf32>
    %mul3A_7 = arith.constant 9.99999974E-5 : f32
    %mul3A_8 = vector.broadcast %mul3A_7 : f32 to vector<1x128xf32>
    %mul3A_9 = arith.mulf %get3A_6, %mul3A_8 : vector<1x128xf32>
    %mul3A_10 = arith.mulf %mul3A_3, %mul3A_3 : vector<1x128xf32>
    %sub3A = arith.subf %mul3A_9, %mul3A_10 : vector<1x128xf32>
    %get3A_11 = arith.constant 0 : index
    %get3A_12 = arith.constant 0 : index
    %get3A_13 = vector.load %arg4[%get3A_11, %get3A_12] : memref<1x128xf32, #tpu.memory_space<vmem>>, vector<1x128xf32>
    %add3A = arith.constant 9.99999974E-6 : f32
    %add3A_14 = vector.broadcast %add3A : f32 to vector<1x128xf32>
    %add3A_15 = arith.addf %sub3A, %add3A_14 : vector<1x128xf32>
    %rsqrt3A = math.rsqrt %add3A_15 : vector<1x128xf32>
    %mul3A_16 = arith.mulf %get3A_13, %rsqrt3A : vector<1x128xf32>
    %get3A_17 = arith.constant 0 : index
    %get3A_18 = arith.constant 0 : index
    %get3A_19 = vector.load %arg1[%get3A_17, %get3A_18] : memref<1000x128xf32, #tpu.memory_space<vmem>>, vector<1000x128xf32>
    %mul3A_20 = vector.broadcast %mul3A_16 : vector<1x128xf32> to vector<1000x128xf32>
    %mul3A_21 = arith.mulf %get3A_19, %mul3A_20 : vector<1000x128xf32>
    %get3A_22 = arith.constant 0 : index
    %get3A_23 = arith.constant 0 : index
    %get3A_24 = vector.load %arg5[%get3A_22, %get3A_23] : memref<1x128xf32, #tpu.memory_space<vmem>>, vector<1x128xf32>
    %mul3A_25 = arith.mulf %mul3A_3, %mul3A_16 : vector<1x128xf32>
    %sub3A_26 = arith.subf %get3A_24, %mul3A_25 : vector<1x128xf32>
    %add3A_27 = vector.broadcast %sub3A_26 : vector<1x128xf32> to vector<1000x128xf32>
    %add3A_28 = arith.addf %mul3A_21, %add3A_27 : vector<1000x128xf32>
    %swap3A = arith.constant 0 : index
    %swap3A_29 = arith.constant 0 : index
    %swap3A_30 = vector.load %arg6[%swap3A, %swap3A_29] : memref<1000x128xf32, #tpu.memory_space<vmem>>, vector<1000x128xf32>
    tpu.vector_store %arg6[%swap3A, %swap3A_29], %add3A_28 {strides = array<i32>} : memref<1000x128xf32, #tpu.memory_space<vmem>>, vector<1000x128xf32>,
    return
  }
  func.func @transform_0(%arg0: i32) -> (i32, i32) {
    %c0_i32 = arith.constant 0 : i32
    %c0_i32_0 = arith.constant 0 : i32
    return %arg0, %c0_i32 : i32, i32
  }
  func.func @transform_1(%arg0: i32) -> (i32, i32) {
    %c0_i32 = arith.constant 0 : i32
    %c0_i32_0 = arith.constant 0 : i32
    %c0_i32_1 = arith.constant 0 : i32
    return %c0_i32, %c0_i32_0 : i32, i32
  }
  func.func @transform_2(%arg0: i32) -> (i32, i32) {
    %c0_i32 = arith.constant 0 : i32
    %c0_i32_0 = arith.constant 0 : i32
    %c0_i32_1 = arith.constant 0 : i32
    return %c0_i32, %c0_i32_0 : i32, i32
  }
  func.func @transform_3(%arg0: i32) -> (i32, i32) {
    %c0_i32 = arith.constant 0 : i32
    %c0_i32_0 = arith.constant 0 : i32
    %c0_i32_1 = arith.constant 0 : i32
    return %c0_i32, %c0_i32_0 : i32, i32
  }
  func.func @transform_4(%arg0: i32) -> (i32, i32) {
    %c0_i32 = arith.constant 0 : i32
    %c0_i32_0 = arith.constant 0 : i32
    %c0_i32_1 = arith.constant 0 : i32
    return %c0_i32, %c0_i32_0 : i32, i32
  }
  func.func @transform_5(%arg0: i32) -> (i32, i32) {
    %c0_i32 = arith.constant 0 : i32
    %c0_i32_0 = arith.constant 0 : i32
    return %arg0, %c0_i32 : i32, i32
  }
}

</mosaic_0001>

<sc_bundles>
// kernel: kernel.14.cloned.1.call-start
scs
__scs_entry_jumppad:
0x0: {  	(pc) =	sbr.rel $0x88, $3  }
0x1: {  	(tag) =	ssettag $0x0;
	lr =	simm.s32 $0x1  }
0x2: {  	[smem:$0x3F91] =	sst lr;
	_ =	strace $0xD0000000  }
0x3: {  	_ = 	snop  }
0x4: {  	_ = 	snop  }
0x5: {  	_ = 	snop  }
0x6: {  	_ = 	snop  }
0x7: {  	_ = 	snop  }
__scs_overlays_trampoline_lowered:
0x8: {  	[smem:$0x3FA0] =	sst s0  }
0x9: {  	[smem:$0x3FA1] =	sst s1  }
0xa: {  	[smem:$0x3FA2] =	sst s2  }
0xb: {  	[smem:$0x3FA3] =	sst s3  }
0xc: {  	[smem:$0x3FA4] =	sst s4  }
0xd: {  	[smem:$0x3FA5] =	sst s5  }
0xe: {  	[smem:$0x3FA6] =	sst s6  }
0xf: {  	[smem:$0x3FA7] =	sst s7  }
0x10: {  	[smem:$0x3FA8] =	sst s8  }
0x11: {  	[smem:$0x3FA9] =	sst s9;
	s0 =	simm.s32 @!p0 $0x0  }
0x12: {  	s1 =	sld [smem:$0x3F8F];
	s0 =	simm.s32 @p0 $0x1  }
0x13: {  	[smem:$0x3FAA] =	sst s0;
	s0 =	simm.s32 @!p1 $0x0  }
0x14: {  	s2 =	sld [smem:$0x3F8E];
	s0 =	simm.s32 @p1 $0x1  }
0x15: {  	[smem:$0x3FAB] =	sst s0;
	s0 =	simm.s32 @!p2 $0x0  }
0x16: {  	s3 =	sld [smem:$0x3FDB];
	s0 =	simm.s32 @p2 $0x1  }
0x17: {  	s4 =	simm.s32 $0x1BF5;
	[smem:$0x3FAD] =	sst s0  }
0x18: {  	s0 =	sld [smem:$0x3F90];
	_ =	swait.ge [sflag:s4], $0x0  }
0x19: {  	s7 =	sld [smem:$0x3F91]  }
0x1a: {  	s8 =	sadd.s32 $0xFFFFE003, lr  }
0x1b: {  	s9 =	sadd.s32 $0xFFFFFEF7, lr;
	s5 =	simm.s32 $0xFFFFFFFF;
	p2 =	slt.u32 s8, $0xFFFFF086  }
0x1c: {  	p1 =	slt.u32 s9, $0xF7A;
	s5 =	simm.s32 @!p2 $0x0  }
0x1d: {  	s5 =	simm.s32 @p1 $0x1;
	p0 =	seq.s32 s7, s2  }
0x1e: {  	s7 =	smul.u32 @!p0 $0xF7A, s2;
	p2 =	seq.s32 @!p0 s5, $0x0  }
0x1f: {  	s9 =	smul.u32 $0xF7A, s1;
	s8 =	simm.s32 @!p0 $0x1BF5;
	p2 =	por !p2, p0  }
0x20: {  	[sflag:s8] =	ssyncset.s32 @!p0 $0xFFFFF086;
	s6 =	sadd.s32 @!p0 s3, s7;
	s7 =	simm.s32 @!p0 $0x108  }
0x21: {  	s3 =	sadd.s32 s3, s9;
	s6 =	sadd.s32 @!p0 $0x88, s6;
	s7 =	simm.s32 @p2 $0x1082  }
0x22: {  	[simem:s7], [sflag:s8] =	dma.local @!p0 [hbm:s6], $0xF7A  }
0x23: {  	s9 =	sor.u32 $0xD0000000, s2;
	s6 =	simm.s32 $0x108;
	_ =	swait.ge @!p0 [sflag:s8], $0x0  }
0x24: {  	s3 =	sadd.s32 $0x88, s3;
	s6 =	simm.s32 @!p1 $0x1082;
	[sflag:s4] =	ssyncset.s32 $0xFFFFF086  }
0x25: {  	[simem:s6], [sflag:s4] =	dma.local [hbm:s3], $0xF7A  }
0x26: {  	[smem:$0x3F91] =	sst s1;
	(tag) =	ssettag s2;
	_ =	strace s9  }
0x27: {  	s1 =	sld [smem:$0x3FA1]  }
0x28: {  	s2 =	sld [smem:$0x3FA2]  }
0x29: {  	s4 =	sld [smem:$0x3FA4]  }
0x2a: {  	p0 =	seq.s32 s5, $0x0;
	s5 =	sld [smem:$0x3FA5]  }
0x2b: {  	s6 =	sld [smem:$0x3FA6]  }
0x2c: {  	s7 =	sld [smem:$0x3FA7]  }
0x2d: {  	s3 =	simm.s32 $0x108;
	s8 =	sld [smem:$0x3FA8]  }
0x2e: {  	s3 =	simm.s32 @!p0 $0x1082;
	s9 =	sld [smem:$0x3FA9]  }
0x2f: {  	lr =	sadd.s32 s0, s3;
	s0 =	sld [smem:$0x3FA0]  }
0x30: {  	s3 =	sld [smem:$0x3FA3]  }
0x31: {  	[smem:$0x3FAC] =	sst s10  }
0x32: {  	s10 =	sld [smem:$0x3FAA];
	_ =	sdelay $0x3  }
0x33: {  	p0 =	seq.s32 s10, $0x1;
	s10 =	sld [smem:$0x3FAC];
	_ =	sdelay $0x3  }
0x34: {  	[smem:$0x3FAC] =	sst s10  }
0x35: {  	s10 =	sld [smem:$0x3FAB];
	_ =	sdelay $0x3  }
0x36: {  	p1 =	seq.s32 s10, $0x1;
	s10 =	sld [smem:$0x3FAC];
	_ =	sdelay $0x3  }
0x37: {  	[smem:$0x3FAC] =	sst s10  }
0x38: {  	s10 =	sld [smem:$0x3FAD]  }
0x39: {  	_ = 	snop;
	(pc) =	sbr.ind lr, $3  }
0x3a: {  	_ = 	snop  }
0x3b: {  	_ = 	snop  }
0x3c: {  	p2 =	seq.s32 s10, $0x1;
	s10 =	sld [smem:$0x3FAC]  }
0x3d: {  	_ =	shalt  }
0x3e: {  	_ =	shalt  }
0x3f: {  	_ =	shalt  }
0x40: {  	_ =	shalt  }
0x41: {  	_ =	shalt  }
0x42: {  	_ =	shalt  }
0x43: {  	_ =	shalt  }
0x44: {  	_ =	shalt  }
0x45: {  	_ =	shalt  }
0x46: {  	_ =	shalt  }
0x47: {  	_ =	shalt  }
0x48: {  	_ =	shalt  }
0x49: {  	_ =	shalt  }
0x4a: {  	_ =	shalt  }
0x4b: {  	_ =	shalt  }
0x4c: {  	_ =	shalt  }
0x4d: {  	_ =	shalt  }
0x4e: {  	_ =	shalt  }
0x4f: {  	_ =	shalt  }
0x50: {  	_ =	shalt  }
0x51: {  	_ =	shalt  }
0x52: {  	_ =	shalt  }
0x53: {  	_ =	shalt  }
0x54: {  	_ =	shalt  }
0x55: {  	_ =	shalt  }
0x56: {  	_ =	shalt  }
0x57: {  	_ =	shalt  }
0x58: {  	_ =	shalt  }
0x59: {  	_ =	shalt  }
0x5a: {  	_ =	shalt  }
0x5b: {  	_ =	shalt  }
0x5c: {  	_ =	shalt  }
0x5d: {  	_ =	shalt  }
0x5e: {  	_ =	shalt  }
0x5f: {  	_ =	shalt  }
0x60: {  	_ =	shalt  }
0x61: {  	_ =	shalt  }
0x62: {  	_ =	shalt  }
0x63: {  	_ =	shalt  }
0x64: {  	_ =	shalt  }
0x65: {  	_ =	shalt  }
0x66: {  	_ =	shalt  }
0x67: {  	_ =	shalt  }
0x68: {  	_ =	shalt  }
0x69: {  	_ =	shalt  }
0x6a: {  	_ =	shalt  }
0x6b: {  	_ =	shalt  }
0x6c: {  	_ =	shalt  }
0x6d: {  	_ =	shalt  }
0x6e: {  	_ =	shalt  }
0x6f: {  	_ =	shalt  }
0x70: {  	_ =	shalt  }
0x71: {  	_ =	shalt  }
0x72: {  	_ =	shalt  }
0x73: {  	_ =	shalt  }
0x74: {  	_ =	shalt  }
0x75: {  	_ =	shalt  }
0x76: {  	_ =	shalt  }
0x77: {  	_ =	shalt  }
0x78: {  	_ =	shalt  }
0x79: {  	_ =	shalt  }
0x7a: {  	_ =	shalt  }
0x7b: {  	_ =	shalt  }
0x7c: {  	_ =	shalt  }
0x7d: {  	_ =	shalt  }
0x7e: {  	_ =	shalt  }
0x7f: {  	_ =	shalt  }
0x80: {  	_ =	shalt  }
0x81: {  	_ =	shalt  }
0x82: {  	_ =	shalt  }
0x83: {  	_ =	shalt  }
0x84: {  	_ =	shalt  }
0x85: {  	_ =	shalt  }
0x86: {  	_ =	shalt  }
0x87: {  	_ =	shalt  }
.Lfunc_end0:
.L_simem_size_0:
called_computation_lowered:
.L_overlay_start_0:
0x88: {  	s2 =	sld [smem:$0x3FD9]  }
0x89: {  	s3 =	sld [smem:$0x3FFE];
	_ =	sdelay $0x1  }
0x8a: {  	s1 =	srdreg.scid  }
0x8b: {  	s0 =	sand.u32 $0x1, s1  }
0x8c: {  	s14 =	sshll.u32 s0, $0xA;
	s2 =	sadd.s32 s3, s2  }
0x8d: {  	s2 =	sadd.s32 s2, s14  }
0x8e: {  	[smem:$0x3FB8] =	sst s2  }
0x8f: {  	_ = 	snop  }
0x90: {  	s2 =	sld [smem:$0x3FD0];
	_ =	sdelay $0x2  }
0x91: {  	s4 =	simm.s32 $0xA;
	s5 =	simm.s32 $0x10;
	s15 =	sld [smem:$0x3FC9]  }
0x92: {  	[smem:s5], [sflag:s4] =	dma.local [hbm:s2], $0x1  }
0x93: {  	_ =	swait.eq [sflag:s4], $0x1  }
0x94: {  	[sflag:s4] =	ssyncset.done $0x0  }
0x95: {  	[sflag:s4] =	ssyncadd.s32 $0xFFFFFFFF  }
0x96: {  	s16 =	sld [smem:$0x10];
	(tm) =	ssettm $0x1  }
0x97: {  	s17 =	sld [smem:$0x3FFB];
	_ =	sdelay $0x3  }
0x98: {  	_ =	strace s17  }
0x99: {  	s4 =	sld [smem:$0x3FFC];
	_ =	sdelay $0x3  }
0x9a: {  	_ =	strace s4  }
0x9b: {  	s4 =	sld [smem:$0x3FFD];
	_ =	sdelay $0x3  }
0x9c: {  	_ =	strace s4  }
0x9d: {  	_ =	strace $0x8FFFFFFF  }
0x9e: {  	s18 =	sld [smem:$0x3FDB];
	_ =	sdelay $0x1  }
0x9f: {  	s19 =	simm.s32 $_scs_section_size  }
0xa0: {  	s6 =	simm.s32 $_size__tile_overlayer_lowered;
	s7 =	simm.s32 $_tile_overlayer_lowered  }
0xa1: {  	s22 =	simm.s32 $0x1BFF;
	s21 =	sshll.u32 s7, $0x1;
	s4 =	sadd.s32 s19, s18  }
0xa2: {  	s8 =	simm.s32 $0x0;
	s20 =	sshll.u32 s6, $0x1;
	s6 =	sadd.s32 s21, s4  }
0xa3: {  	[timem:s8], [sflag:s22] =	dma.local [hbm:s6], s20  }
0xa4: {  	_ =	swait.ge [sflag:s22], s20  }
0xa5: {  	s5 =	ssub.s32 $0x0, s20;
	[sflag:s22] =	ssyncset.done $0x0  }
0xa6: {  	[sflag:s22] =	ssyncadd.s32 s5;
	_ =	sdelay $0x1  }
0xa7: {  	s23 =	simm.s32 $0x1B8B  }
0xa8: {  	_ =	swait.ge [sflag:s23], $0x1  }
0xa9: {  	[sflag:s23] =	ssyncset.done $0x0  }
0xaa: {  	s25 =	simm.s32 $0x1B8E;
	s24 =	sld [smem:$0x3FFE];
	[sflag:s23] =	ssyncadd.s32 $0xFFFFFFFF  }
0xab: {  	s26 =	simm.s32 $execute0_lowered;
	[smem:$0x3FD2] =	sst s25  }
0xac: {  	s6 =	sshll.u32 s26, $0x1;
	_ =	strace $0x80000046;
	[dreg:$0x1] =	wrdreg $0xFFFFFFFF  }
0xad: {  	s28 =	simm.s32 $_size_execute0_lowered;
	s4 =	sadd.s32 s4, s6;
	[dreg:$0x0] =	wrdreg $0x0  }
0xae: {  	s6 =	sshll.u32 s28, $0x1;
	[dreg:$0x2] =	wrdreg s4  }
0xaf: {  	[dreg:$0x3] =	wrdreg s6  }
0xb0: {  	[dreg:$0x4] =	wrdreg $0xC0  }
0xb1: {  	_ =	task [dreg:s8], $0x5FFFF  }
0xb2: {  	[dreg:$0x1] =	wrdreg $0xFFFFFFFF  }
0xb3: {  	[dreg:$0x0] =	wrdreg $0x60  }
0xb4: {  	[dreg:$0x2] =	wrdreg s15  }
0xb5: {  	[dreg:$0x3] =	wrdreg s16  }
0xb6: {  	[dreg:$0x4] =	wrdreg s24  }
0xb7: {  	[dreg:$0x5] =	wrdreg $0x90000  }
0xb8: {  	[dreg:$0x6] =	wrdreg $0x9  }
0xb9: {  	_ =	task.clear_ibuf [dreg:s8], $0x7FFFF;
	_ =	strace $0x90000046  }
0xba: {  	s29 =	simm.s32 $0x9;
	_ =	strace $0x80000048  }
0xbb: {  	_ =	swait.ge [sflag:s29], $0x1  }
0xbc: {  	[sflag:s29] =	ssyncadd.s32 $0xFFFFFFFF  }
0xbd: {  	_ =	strace $0x90000048  }
0xbe: {  	_ =	sfence  }
0xbf: {  	s30 =	sld [smem:$0x0];
	_ =	sdelay $0x2  }
0xc0: {  	s31 =	sshll.u32 s1, $0xD;
	s1 =	sshrl.u32 s1, $0x2  }
0xc1: {  	s3 =	sand.u32 $0x4000, s31;
	s1 =	sadd.s32 s1, s30  }
0xc2: {  	s0 =	sor.u32 s3, s0;
	s1 =	sshll.u32 s1, $0x11  }
0xc3: {  	s0 =	sor.u32 s1, s0  }
0xc4: {  	s0 =	sadd.s32 $0x8F2B, s0  }
0xc5: {  	[sflag:s0] =	ssyncadd.remote.s32 $0x1  }
0xc6: {  	_ =	sfence.sel $0xFFFF  }
0xc7: {  	[dreg:$0x0] =	wrdreg $0xFFFFFFFF;
	(pc) =	sbr.abs _section_cstart, $3  }
0xc8: {  	[dreg:$0x1] =	wrdreg $0xFFFFFFFF  }
0xc9: {  	_ =	task.clear_ibuf [dreg:s8], $0x2FFFF;
	_ =	strace $0x9FFFFFFF  }
0xca: {  	(tm) =	ssettm $0x7FFFFFFF  }
0xcb: {  	_ =	shalt  }
tec
execute0_lowered:
.L_overlay_start_1:
0x0: {  	(tag) =	ssettag $0x1  }
0x1: {  	s1 =	rddreg [dreg:$0x0]  }
0x2: {  	s7 =	rddreg [dreg:$0x1]  }
0x3: {  	s2 =	srdreg.scid;
	s6 =	rddreg [dreg:$0x2]  }
0x4: {  	s0 =	stileid.u32;
	s3 =	rddreg [dreg:$0x3]  }
0x5: {  	s4 =	simm.s32 $0x0;
	s14 =	simm.s32 $0x80;
	s15 =	simm.s32 $0x5000  }
0x6: {  	s16 =	simm.s32 $0x0;
	s5 =	sand.u32 $0x1, s2;
	s10 =	smul.u32 $0x14000, s0  }
0x7: {  	s26 =	sshll.u32 s0, $0x1;
	[smem:$0x7FF] =	sst s4;
	s12 =	smul.u32 $0x50000, s0  }
0x8: {  	s31 =	sshll.u32 s0, $0x6;
	s2 =	sor.u32 s5, s26;
	s9 =	smul.u32 $0x140000, s5  }
0x9: {  	s28 =	ssub.s32 $0x2, s5;
	s5 =	sadd.s32 $0xE400, s6;
	s8 =	smul.u32 $0x500, s2  }
0xa: {  	s2 =	rddreg [dreg:$0x4];
	_ =	strace $0x80000047;
	s29 =	sshrl.u32 s28, $0x1  }
0xb: {  	s30 =	sshrl.u32 s12, $0x2;
	s12 =	simm.s32 $0x1;
	s9 =	sadd.s32 s10, s9  }
0xc: {  	s10 =	ssub.s32 s28, s29;
	s13 =	sadd.s32 s30, s3;
	s11 =	sadd.s32 s8, s6  }
0xd: {  	s9 =	sshrl.u32 s9, $0x3;
	s7 =	sadd.s32 s7, s8;
	s10 =	smax.u32 s10, $0x1  }
0xe: {  	s9 =	sadd.s32 s9, s6;
	s6 =	sor.u32 $0x1C01, s31;
	s8 =	sadd.s32 $0x4400, s11  }
0xf: {  	s11 =	sshrl.u32 s13, $0x3;
	s13 =	simm.s32 $0x2800;
	s9 =	sadd.s32 $0x10C00, s9  }
.LBB2_1:
0x10: {  	[spmem:s11], [sflag:s6] =	dma.local [hbm:s5], $0x2800  }
0x11: {  	_ =	swait.ge [sflag:s12], $0x2800  }
0x12: {  	[sflag:s12] =	ssyncset.done $0x0  }
0x13: {  	[sflag:s12] =	ssyncadd.s32 $0xFFFFD800  }
0x14: {  	[tilespmem:s4], [sflag:$0x1] =	stream.linear.gather [hbm4b:s7+s4], $0x2780, $0x38;
	[tilespmem:$0x1D000] =	vst v63  }
0x15: {  	_ =	swait.ge [sflag:s12], $0x2780  }
0x16: {  	[sflag:s12] =	ssyncset.done $0x0  }
0x17: {  	[sflag:s12] =	ssyncadd.s32 $0xFFFFD880  }
0x18: {  	[tilespmem:s13], [sflag:$0x1] =	stream.linear.gather [hbm4b:s8+s4], $0x2780, $0x38;
	[tilespmem:$0x1D000] =	vst v63  }
0x19: {  	_ =	swait.ge [sflag:s12], $0x2780  }
0x1a: {  	[sflag:s12] =	ssyncset.done $0x0  }
0x1b: {  	[sflag:s12] =	ssyncadd.s32 $0xFFFFD880  }
0x1c: {  	s17 =	simm.s32 $0x0;
	[bflag:$0x0] =	sbarrier.arrive $0xFFFF  }
0x1d: {  	[tilespmem:s15], [sflag:$0x1] =	stream.indirect.gather [hbm4b:s1+s14], $0x80, s17, s14, $0xb8;
	[tilespmem:$0x1D000] =	vst v63  }
0x1e: {  	_ =	swait.ge [sflag:s12], $0x4000  }
0x1f: {  	[sflag:s12] =	ssyncset.done $0x0  }
0x20: {  	s31 =	simm.s32 $0x2800;
	[sflag:s12] =	ssyncadd.s32 $0xFFFFC000  }
0x21: {  	[spmem:s3] =	stream.indirect.scatter.add.f32 [tilespmem:s15], [sflag:$0x1], $0x80, s31, s14, $0xb8;
	[tilespmem:$0x1D000] =	vst v63  }
0x22: {  	_ =	swait.ge [sflag:s12], $0x4000  }
0x23: {  	s18 =	simm.s32 $0x400;
	s17 =	simm.s32 $0x200;
	[sflag:s12] =	ssyncset.done $0x0  }
.LBB2_2:
0x24: {  	s19 =	sshra.s32 s17, $0x2  }
0x25: {  	[sflag:s12] =	ssyncadd.s32 $0xFFFFC000;
	s17 =	smov.u32 s18;
	s20 =	sadd.s32 $0x200, s18  }
0x26: {  	[tilespmem:s15], [sflag:$0x1] =	stream.indirect.gather [hbm4b:s1+s14], $0x80, s19, s14, $0xb8;
	[tilespmem:$0x1D000] =	vst v63  }
0x27: {  	p0 =	sne.s32 s18, $0x9C00;
	_ =	swait.ge [sflag:s12], $0x4000  }
.Ltmp0:
0x28: {  	[sflag:s12] =	ssyncset.done $0x0;
	(pc) =	sbr.rel @p0 .LBB2_2-.Ltmp0, $4  }
0x29: {  	s18 =	sadd.s32 $0x2800, s19;
	[sflag:s12] =	ssyncadd.s32 $0xFFFFC000  }
0x2a: {  	[spmem:s3] =	stream.indirect.scatter.add.f32 [tilespmem:s15], [sflag:$0x1], $0x80, s18, s14, $0xb8;
	[tilespmem:$0x1D000] =	vst v63  }
0x2b: {  	_ =	swait.ge [sflag:s12], $0x4000  }
0x2c: {  	s18 =	smov.u32 s20;
	[sflag:s12] =	ssyncset.done $0x0  }
0x2d: {  	s17 =	sshra.s32 s17, $0x2;
	[sflag:s12] =	ssyncadd.s32 $0xFFFFC000  }
0x2e: {  	[tilespmem:s15], [sflag:$0x1] =	stream.indirect.gather [hbm4b:s1+s14], $0x80, s17, s14, $0xb8;
	[tilespmem:$0x1D000] =	vst v63  }
0x2f: {  	_ =	swait.ge [sflag:s12], $0x4000  }
0x30: {  	[sflag:s12] =	ssyncset.done $0x0  }
0x31: {  	s17 =	sadd.s32 $0x2800, s17;
	[sflag:s12] =	ssyncadd.s32 $0xFFFFC000  }
0x32: {  	[spmem:s3] =	stream.indirect.scatter.add.f32 [tilespmem:s15], [sflag:$0x1], $0x80, s17, s14, $0xb8;
	[tilespmem:$0x1D000] =	vst v63  }
0x33: {  	_ =	swait.ge [sflag:s12], $0x4000  }
0x34: {  	s16 =	sadd.s32 $0x1, s16;
	[sflag:s12] =	ssyncset.done $0x0  }
0x35: {  	p0 =	sne.s32 s16, s10;
	[sflag:s12] =	ssyncadd.s32 $0xFFFFC000  }
.Ltmp1:
0x36: {  	[bflag:$0x0] =	sbarrier.arrive $0xFFFF;
	(pc) =	sbr.rel @p0 .LBB2_1-.Ltmp1, $4  }
0x37: {  	[hbm:s9], [sflag:s6] =	dma.local [spmem:s11], $0x2800  }
0x38: {  	_ =	swait.ge [sflag:s12], $0x2800  }
0x39: {  	[sflag:s12] =	ssyncset.done $0x0  }
0x3a: {  	[sflag:s12] =	ssyncadd.s32 $0xFFFFD800  }
0x3b: {  	_ =	sfence.sel $0x180000  }
0x3c: {  	[bflag:$0x0] =	sbarrier.arrive $0xFFFF  }
0x3d: {  	p0 =	sne.s32 s0, $0x0;
	_ =	strace $0x90000047  }
0x3e: {  	s0 =	sadd.s32 @!p0 $0x100000, s2;
	[bflag:$0x2] =	sbarrier.arrive $0xFFFF  }
0x3f: {  	[sflag:s0] =	ssyncadd.tile.s32 @!p0 $0x1;
	_ =	shalt  }
.Lfunc_end2:
_tile_overlayer_lowered:
.L_overlay_start_2:
0x40: {  	(tag) =	ssettag $0x2  }
0x41: {  	s0 =	rddreg [dreg:$0x0];
	s2 =	stileid.u32  }
0x42: {  	s1 =	rddreg [dreg:$0x1];
	p0 =	sne.s32 s2, $0x0  }
0x43: {  	s3 =	rddreg [dreg:$0x2];
	[bflag:$0x3] =	sbarrier.arrive $0xFFFF;
	s2 =	simm.s32 @!p0 $0x1C01  }
0x44: {  	[timem:s3], [sflag:s2] =	dma.local @!p0 [hbm:s0], s1  }
0x45: {  	s0 =	simm.s32 @!p0 $0x1  }
0x46: {  	_ =	swait.ge @!p0 [sflag:s0], s1  }
0x47: {  	s1 =	ssub.s32 @!p0 $0x0, s1;
	[sflag:s0] =	ssyncset.done @!p0 $0x0  }
0x48: {  	[sflag:s0] =	ssyncadd.s32 @!p0 s1  }
0x49: {  	[bflag:$0x3] =	sbarrier.arrive $0xFFFF  }
0x4a: {  	_ =	shalt  }

// kernel: kernel.17.cloned.1.call-start
scs
__scs_entry_jumppad:
0x0: {  	(pc) =	sbr.rel $0x88, $3  }
0x1: {  	(tag) =	ssettag $0x0;
	lr =	simm.s32 $0x1  }
0x2: {  	[smem:$0x3F91] =	sst lr;
	_ =	strace $0xD0000000  }
0x3: {  	_ = 	snop  }
0x4: {  	_ = 	snop  }
0x5: {  	_ = 	snop  }
0x6: {  	_ = 	snop  }
0x7: {  	_ = 	snop  }
__scs_overlays_trampoline_lowered:
0x8: {  	[smem:$0x3FA0] =	sst s0  }
0x9: {  	[smem:$0x3FA1] =	sst s1  }
0xa: {  	[smem:$0x3FA2] =	sst s2  }
0xb: {  	[smem:$0x3FA3] =	sst s3  }
0xc: {  	[smem:$0x3FA4] =	sst s4  }
0xd: {  	[smem:$0x3FA5] =	sst s5  }
0xe: {  	[smem:$0x3FA6] =	sst s6  }
0xf: {  	[smem:$0x3FA7] =	sst s7  }
0x10: {  	[smem:$0x3FA8] =	sst s8  }
0x11: {  	[smem:$0x3FA9] =	sst s9;
	s0 =	simm.s32 @!p0 $0x0  }
0x12: {  	s1 =	sld [smem:$0x3F8F];
	s0 =	simm.s32 @p0 $0x1  }
0x13: {  	[smem:$0x3FAA] =	sst s0;
	s0 =	simm.s32 @!p1 $0x0  }
0x14: {  	s2 =	sld [smem:$0x3F8E];
	s0 =	simm.s32 @p1 $0x1  }
0x15: {  	[smem:$0x3FAB] =	sst s0;
	s0 =	simm.s32 @!p2 $0x0  }
0x16: {  	s3 =	sld [smem:$0x3FDB];
	s0 =	simm.s32 @p2 $0x1  }
0x17: {  	s4 =	simm.s32 $0x1BF5;
	[smem:$0x3FAD] =	sst s0  }
0x18: {  	s0 =	sld [smem:$0x3F90];
	_ =	swait.ge [sflag:s4], $0x0  }
0x19: {  	s7 =	sld [smem:$0x3F91]  }
0x1a: {  	s8 =	sadd.s32 $0xFFFFE003, lr  }
0x1b: {  	s9 =	sadd.s32 $0xFFFFFEF7, lr;
	s5 =	simm.s32 $0xFFFFFFFF;
	p2 =	slt.u32 s8, $0xFFFFF086  }
0x1c: {  	p1 =	slt.u32 s9, $0xF7A;
	s5 =	simm.s32 @!p2 $0x0  }
0x1d: {  	s5 =	simm.s32 @p1 $0x1;
	p0 =	seq.s32 s7, s2  }
0x1e: {  	s7 =	smul.u32 @!p0 $0xF7A, s2;
	p2 =	seq.s32 @!p0 s5, $0x0  }
0x1f: {  	s9 =	smul.u32 $0xF7A, s1;
	s8 =	simm.s32 @!p0 $0x1BF5;
	p2 =	por !p2, p0  }
0x20: {  	[sflag:s8] =	ssyncset.s32 @!p0 $0xFFFFF086;
	s6 =	sadd.s32 @!p0 s3, s7;
	s7 =	simm.s32 @!p0 $0x108  }
0x21: {  	s3 =	sadd.s32 s3, s9;
	s6 =	sadd.s32 @!p0 $0x88, s6;
	s7 =	simm.s32 @p2 $0x1082  }
0x22: {  	[simem:s7], [sflag:s8] =	dma.local @!p0 [hbm:s6], $0xF7A  }
0x23: {  	s9 =	sor.u32 $0xD0000000, s2;
	s6 =	simm.s32 $0x108;
	_ =	swait.ge @!p0 [sflag:s8], $0x0  }
0x24: {  	s3 =	sadd.s32 $0x88, s3;
	s6 =	simm.s32 @!p1 $0x1082;
	[sflag:s4] =	ssyncset.s32 $0xFFFFF086  }
0x25: {  	[simem:s6], [sflag:s4] =	dma.local [hbm:s3], $0xF7A  }
0x26: {  	[smem:$0x3F91] =	sst s1;
	(tag) =	ssettag s2;
	_ =	strace s9  }
0x27: {  	s1 =	sld [smem:$0x3FA1]  }
0x28: {  	s2 =	sld [smem:$0x3FA2]  }
0x29: {  	s4 =	sld [smem:$0x3FA4]  }
0x2a: {  	p0 =	seq.s32 s5, $0x0;
	s5 =	sld [smem:$0x3FA5]  }
0x2b: {  	s6 =	sld [smem:$0x3FA6]  }
0x2c: {  	s7 =	sld [smem:$0x3FA7]  }
0x2d: {  	s3 =	simm.s32 $0x108;
	s8 =	sld [smem:$0x3FA8]  }
0x2e: {  	s3 =	simm.s32 @!p0 $0x1082;
	s9 =	sld [smem:$0x3FA9]  }
0x2f: {  	lr =	sadd.s32 s0, s3;
	s0 =	sld [smem:$0x3FA0]  }
0x30: {  	s3 =	sld [smem:$0x3FA3]  }
0x31: {  	[smem:$0x3FAC] =	sst s10  }
0x32: {  	s10 =	sld [smem:$0x3FAA];
	_ =	sdelay $0x3  }
0x33: {  	p0 =	seq.s32 s10, $0x1;
	s10 =	sld [smem:$0x3FAC];
	_ =	sdelay $0x3  }
0x34: {  	[smem:$0x3FAC] =	sst s10  }
0x35: {  	s10 =	sld [smem:$0x3FAB];
	_ =	sdelay $0x3  }
0x36: {  	p1 =	seq.s32 s10, $0x1;
	s10 =	sld [smem:$0x3FAC];
	_ =	sdelay $0x3  }
0x37: {  	[smem:$0x3FAC] =	sst s10  }
0x38: {  	s10 =	sld [smem:$0x3FAD]  }
0x39: {  	_ = 	snop;
	(pc) =	sbr.ind lr, $3  }
0x3a: {  	_ = 	snop  }
0x3b: {  	_ = 	snop  }
0x3c: {  	p2 =	seq.s32 s10, $0x1;
	s10 =	sld [smem:$0x3FAC]  }
0x3d: {  	_ =	shalt  }
0x3e: {  	_ =	shalt  }
0x3f: {  	_ =	shalt  }
0x40: {  	_ =	shalt  }
0x41: {  	_ =	shalt  }
0x42: {  	_ =	shalt  }
0x43: {  	_ =	shalt  }
0x44: {  	_ =	shalt  }
0x45: {  	_ =	shalt  }
0x46: {  	_ =	shalt  }
0x47: {  	_ =	shalt  }
0x48: {  	_ =	shalt  }
0x49: {  	_ =	shalt  }
0x4a: {  	_ =	shalt  }
0x4b: {  	_ =	shalt  }
0x4c: {  	_ =	shalt  }
0x4d: {  	_ =	shalt  }
0x4e: {  	_ =	shalt  }
0x4f: {  	_ =	shalt  }
0x50: {  	_ =	shalt  }
0x51: {  	_ =	shalt  }
0x52: {  	_ =	shalt  }
0x53: {  	_ =	shalt  }
0x54: {  	_ =	shalt  }
0x55: {  	_ =	shalt  }
0x56: {  	_ =	shalt  }
0x57: {  	_ =	shalt  }
0x58: {  	_ =	shalt  }
0x59: {  	_ =	shalt  }
0x5a: {  	_ =	shalt  }
0x5b: {  	_ =	shalt  }
0x5c: {  	_ =	shalt  }
0x5d: {  	_ =	shalt  }
0x5e: {  	_ =	shalt  }
0x5f: {  	_ =	shalt  }
0x60: {  	_ =	shalt  }
0x61: {  	_ =	shalt  }
0x62: {  	_ =	shalt  }
0x63: {  	_ =	shalt  }
0x64: {  	_ =	shalt  }
0x65: {  	_ =	shalt  }
0x66: {  	_ =	shalt  }
0x67: {  	_ =	shalt  }
0x68: {  	_ =	shalt  }
0x69: {  	_ =	shalt  }
0x6a: {  	_ =	shalt  }
0x6b: {  	_ =	shalt  }
0x6c: {  	_ =	shalt  }
0x6d: {  	_ =	shalt  }
0x6e: {  	_ =	shalt  }
0x6f: {  	_ =	shalt  }
0x70: {  	_ =	shalt  }
0x71: {  	_ =	shalt  }
0x72: {  	_ =	shalt  }
0x73: {  	_ =	shalt  }
0x74: {  	_ =	shalt  }
0x75: {  	_ =	shalt  }
0x76: {  	_ =	shalt  }
0x77: {  	_ =	shalt  }
0x78: {  	_ =	shalt  }
0x79: {  	_ =	shalt  }
0x7a: {  	_ =	shalt  }
0x7b: {  	_ =	shalt  }
0x7c: {  	_ =	shalt  }
0x7d: {  	_ =	shalt  }
0x7e: {  	_ =	shalt  }
0x7f: {  	_ =	shalt  }
0x80: {  	_ =	shalt  }
0x81: {  	_ =	shalt  }
0x82: {  	_ =	shalt  }
0x83: {  	_ =	shalt  }
0x84: {  	_ =	shalt  }
0x85: {  	_ =	shalt  }
0x86: {  	_ =	shalt  }
0x87: {  	_ =	shalt  }
.Lfunc_end0:
.L_simem_size_0:
called_computation.1_lowered:
.L_overlay_start_0:
0x88: {  	s2 =	sld [smem:$0x3FD9]  }
0x89: {  	s3 =	sld [smem:$0x3FFE];
	_ =	sdelay $0x1  }
0x8a: {  	s1 =	srdreg.scid  }
0x8b: {  	s0 =	sand.u32 $0x1, s1  }
0x8c: {  	s14 =	sshll.u32 s0, $0xA;
	s2 =	sadd.s32 s3, s2  }
0x8d: {  	s2 =	sadd.s32 s2, s14  }
0x8e: {  	[smem:$0x3FB8] =	sst s2  }
0x8f: {  	_ = 	snop  }
0x90: {  	s2 =	sld [smem:$0x3FD0];
	_ =	sdelay $0x2  }
0x91: {  	s15 =	simm.s32 $0xA;
	s4 =	simm.s32 $0x10  }
0x92: {  	[smem:s4], [sflag:s15] =	dma.local [hbm:s2], $0x1  }
0x93: {  	_ =	swait.eq [sflag:s15], $0x1  }
0x94: {  	[sflag:s15] =	ssyncset.done $0x0  }
0x95: {  	s16 =	sld [smem:$0x10];
	[sflag:s15] =	ssyncadd.s32 $0xFFFFFFFF  }
0x96: {  	s17 =	sld [smem:$0x11];
	(tm) =	ssettm $0x1  }
0x97: {  	s18 =	sld [smem:$0x3FFB];
	_ =	sdelay $0x3  }
0x98: {  	_ =	strace s18  }
0x99: {  	s4 =	sld [smem:$0x3FFC];
	_ =	sdelay $0x3  }
0x9a: {  	_ =	strace s4  }
0x9b: {  	s4 =	sld [smem:$0x3FFD];
	_ =	sdelay $0x3  }
0x9c: {  	_ =	strace s4  }
0x9d: {  	_ =	strace $0x8FFFFFFF  }
0x9e: {  	s19 =	sld [smem:$0x3FDB];
	_ =	sdelay $0x1  }
0x9f: {  	s5 =	simm.s32 $_scs_section_size  }
0xa0: {  	s6 =	simm.s32 $_size__tile_overlayer_lowered;
	s7 =	simm.s32 $_tile_overlayer_lowered  }
0xa1: {  	s22 =	simm.s32 $0x1BFF;
	s21 =	sshll.u32 s7, $0x1;
	s4 =	sadd.s32 s5, s19  }
0xa2: {  	s8 =	simm.s32 $0x0;
	s20 =	sshll.u32 s6, $0x1;
	s6 =	sadd.s32 s21, s4  }
0xa3: {  	[timem:s8], [sflag:s22] =	dma.local [hbm:s6], s20  }
0xa4: {  	_ =	swait.ge [sflag:s22], s20  }
0xa5: {  	s5 =	ssub.s32 $0x0, s20;
	[sflag:s22] =	ssyncset.done $0x0  }
0xa6: {  	[sflag:s22] =	ssyncadd.s32 s5;
	_ =	sdelay $0x1  }
0xa7: {  	s23 =	simm.s32 $0x1B8B  }
0xa8: {  	_ =	swait.ge [sflag:s23], $0x1  }
0xa9: {  	[sflag:s23] =	ssyncset.done $0x0  }
0xaa: {  	s25 =	simm.s32 $0x1B8E;
	s24 =	sld [smem:$0x3FFE];
	[sflag:s23] =	ssyncadd.s32 $0xFFFFFFFF  }
0xab: {  	s26 =	simm.s32 $execute0_lowered;
	[smem:$0x3FD2] =	sst s25  }
0xac: {  	s6 =	sshll.u32 s26, $0x1;
	_ =	strace $0x80000049;
	[dreg:$0x1] =	wrdreg $0xFFFFFFFF  }
0xad: {  	s28 =	simm.s32 $_size_execute0_lowered;
	s4 =	sadd.s32 s4, s6;
	[dreg:$0x0] =	wrdreg $0x0  }
0xae: {  	s6 =	sshll.u32 s28, $0x1;
	[dreg:$0x2] =	wrdreg s4  }
0xaf: {  	[dreg:$0x3] =	wrdreg s6  }
0xb0: {  	[dreg:$0x4] =	wrdreg $0xC0  }
0xb1: {  	_ =	task [dreg:s8], $0x5FFFF  }
0xb2: {  	[dreg:$0x1] =	wrdreg $0xFFFFFFFF  }
0xb3: {  	[dreg:$0x0] =	wrdreg $0x60  }
0xb4: {  	[dreg:$0x2] =	wrdreg s17  }
0xb5: {  	[dreg:$0x3] =	wrdreg s16  }
0xb6: {  	[dreg:$0x4] =	wrdreg s24  }
0xb7: {  	[dreg:$0x5] =	wrdreg $0x90000  }
0xb8: {  	[dreg:$0x6] =	wrdreg $0x9  }
0xb9: {  	_ =	task.clear_ibuf [dreg:s8], $0x7FFFF;
	_ =	strace $0x90000049  }
0xba: {  	s29 =	simm.s32 $0x9;
	_ =	strace $0x8000004B  }
0xbb: {  	_ =	swait.ge [sflag:s29], $0x1  }
0xbc: {  	[sflag:s29] =	ssyncadd.s32 $0xFFFFFFFF  }
0xbd: {  	_ =	strace $0x9000004B  }
0xbe: {  	_ =	sfence  }
0xbf: {  	s30 =	sld [smem:$0x0];
	_ =	sdelay $0x2  }
0xc0: {  	s31 =	sshll.u32 s1, $0xD;
	s1 =	sshrl.u32 s1, $0x2  }
0xc1: {  	s3 =	sand.u32 $0x4000, s31;
	s1 =	sadd.s32 s1, s30  }
0xc2: {  	s0 =	sor.u32 s3, s0;
	s1 =	sshll.u32 s1, $0x11  }
0xc3: {  	s0 =	sor.u32 s1, s0  }
0xc4: {  	s0 =	sadd.s32 $0x8F2B, s0  }
0xc5: {  	[sflag:s0] =	ssyncadd.remote.s32 $0x1  }
0xc6: {  	_ =	sfence.sel $0xFFFF  }
0xc7: {  	[dreg:$0x0] =	wrdreg $0xFFFFFFFF;
	(pc) =	sbr.abs _section_cstart, $3  }
0xc8: {  	[dreg:$0x1] =	wrdreg $0xFFFFFFFF  }
0xc9: {  	_ =	task.clear_ibuf [dreg:s8], $0x2FFFF;
	_ =	strace $0x9FFFFFFF  }
0xca: {  	(tm) =	ssettm $0x7FFFFFFF  }
0xcb: {  	_ =	shalt  }
tec
execute0_lowered:
.L_overlay_start_1:
0x0: {  	(tag) =	ssettag $0x1  }
0x1: {  	s1 =	rddreg [dreg:$0x0]  }
0x2: {  	s7 =	rddreg [dreg:$0x1]  }
0x3: {  	s2 =	srdreg.scid;
	s6 =	rddreg [dreg:$0x2]  }
0x4: {  	s0 =	stileid.u32;
	s3 =	rddreg [dreg:$0x3]  }
0x5: {  	s4 =	simm.s32 $0x0;
	s14 =	simm.s32 $0x80;
	s15 =	simm.s32 $0x5000  }
0x6: {  	s16 =	simm.s32 $0x0;
	s5 =	sand.u32 $0x1, s2;
	s10 =	smul.u32 $0x14000, s0  }
0x7: {  	s26 =	sshll.u32 s0, $0x1;
	[smem:$0x7FF] =	sst s4;
	s12 =	smul.u32 $0x50000, s0  }
0x8: {  	s31 =	sshll.u32 s0, $0x6;
	s2 =	sor.u32 s5, s26;
	s9 =	smul.u32 $0x140000, s5  }
0x9: {  	s28 =	ssub.s32 $0x2, s5;
	s5 =	sadd.s32 $0xE400, s6;
	s8 =	smul.u32 $0x500, s2  }
0xa: {  	s2 =	rddreg [dreg:$0x4];
	_ =	strace $0x8000004A;
	s29 =	sshrl.u32 s28, $0x1  }
0xb: {  	s30 =	sshrl.u32 s12, $0x2;
	s12 =	simm.s32 $0x1;
	s9 =	sadd.s32 s10, s9  }
0xc: {  	s10 =	ssub.s32 s28, s29;
	s13 =	sadd.s32 s30, s3;
	s11 =	sadd.s32 s8, s6  }
0xd: {  	s9 =	sshrl.u32 s9, $0x3;
	s7 =	sadd.s32 s7, s8;
	s10 =	smax.u32 s10, $0x1  }
0xe: {  	s9 =	sadd.s32 s9, s6;
	s6 =	sor.u32 $0x1C01, s31;
	s8 =	sadd.s32 $0x4400, s11  }
0xf: {  	s11 =	sshrl.u32 s13, $0x3;
	s13 =	simm.s32 $0x2800;
	s9 =	sadd.s32 $0x10C00, s9  }
.LBB2_1:
0x10: {  	[spmem:s11], [sflag:s6] =	dma.local [hbm:s5], $0x2800  }
0x11: {  	_ =	swait.ge [sflag:s12], $0x2800  }
0x12: {  	[sflag:s12] =	ssyncset.done $0x0  }
0x13: {  	[sflag:s12] =	ssyncadd.s32 $0xFFFFD800  }
0x14: {  	[tilespmem:s4], [sflag:$0x1] =	stream.linear.gather [hbm4b:s7+s4], $0x2780, $0x38;
	[tilespmem:$0x1D000] =	vst v63  }
0x15: {  	_ =	swait.ge [sflag:s12], $0x2780  }
0x16: {  	[sflag:s12] =	ssyncset.done $0x0  }
0x17: {  	[sflag:s12] =	ssyncadd.s32 $0xFFFFD880  }
0x18: {  	[tilespmem:s13], [sflag:$0x1] =	stream.linear.gather [hbm4b:s8+s4], $0x2780, $0x38;
	[tilespmem:$0x1D000] =	vst v63  }
0x19: {  	_ =	swait.ge [sflag:s12], $0x2780  }
0x1a: {  	[sflag:s12] =	ssyncset.done $0x0  }
0x1b: {  	[sflag:s12] =	ssyncadd.s32 $0xFFFFD880  }
0x1c: {  	s17 =	simm.s32 $0x0;
	[bflag:$0x0] =	sbarrier.arrive $0xFFFF  }
0x1d: {  	[tilespmem:s15], [sflag:$0x1] =	stream.indirect.gather [hbm4b:s1+s14], $0x80, s17, s14, $0xb8;
	[tilespmem:$0x1D000] =	vst v63  }
0x1e: {  	_ =	swait.ge [sflag:s12], $0x4000  }
0x1f: {  	[sflag:s12] =	ssyncset.done $0x0  }
0x20: {  	s31 =	simm.s32 $0x2800;
	[sflag:s12] =	ssyncadd.s32 $0xFFFFC000  }
0x21: {  	[spmem:s3] =	stream.indirect.scatter.add.f32 [tilespmem:s15], [sflag:$0x1], $0x80, s31, s14, $0xb8;
	[tilespmem:$0x1D000] =	vst v63  }
0x22: {  	_ =	swait.ge [sflag:s12], $0x4000  }
0x23: {  	s18 =	simm.s32 $0x400;
	s17 =	simm.s32 $0x200;
	[sflag:s12] =	ssyncset.done $0x0  }
.LBB2_2:
0x24: {  	s19 =	sshra.s32 s17, $0x2  }
0x25: {  	[sflag:s12] =	ssyncadd.s32 $0xFFFFC000;
	s17 =	smov.u32 s18;
	s20 =	sadd.s32 $0x200, s18  }
0x26: {  	[tilespmem:s15], [sflag:$0x1] =	stream.indirect.gather [hbm4b:s1+s14], $0x80, s19, s14, $0xb8;
	[tilespmem:$0x1D000] =	vst v63  }
0x27: {  	p0 =	sne.s32 s18, $0x9C00;
	_ =	swait.ge [sflag:s12], $0x4000  }
.Ltmp0:
0x28: {  	[sflag:s12] =	ssyncset.done $0x0;
	(pc) =	sbr.rel @p0 .LBB2_2-.Ltmp0, $4  }
0x29: {  	s18 =	sadd.s32 $0x2800, s19;
	[sflag:s12] =	ssyncadd.s32 $0xFFFFC000  }
0x2a: {  	[spmem:s3] =	stream.indirect.scatter.add.f32 [tilespmem:s15], [sflag:$0x1], $0x80, s18, s14, $0xb8;
	[tilespmem:$0x1D000] =	vst v63  }
0x2b: {  	_ =	swait.ge [sflag:s12], $0x4000  }
0x2c: {  	s18 =	smov.u32 s20;
	[sflag:s12] =	ssyncset.done $0x0  }
0x2d: {  	s17 =	sshra.s32 s17, $0x2;
	[sflag:s12] =	ssyncadd.s32 $0xFFFFC000  }
0x2e: {  	[tilespmem:s15], [sflag:$0x1] =	stream.indirect.gather [hbm4b:s1+s14], $0x80, s17, s14, $0xb8;
	[tilespmem:$0x1D000] =	vst v63  }
0x2f: {  	_ =	swait.ge [sflag:s12], $0x4000  }
0x30: {  	[sflag:s12] =	ssyncset.done $0x0  }
0x31: {  	s17 =	sadd.s32 $0x2800, s17;
	[sflag:s12] =	ssyncadd.s32 $0xFFFFC000  }
0x32: {  	[spmem:s3] =	stream.indirect.scatter.add.f32 [tilespmem:s15], [sflag:$0x1], $0x80, s17, s14, $0xb8;
	[tilespmem:$0x1D000] =	vst v63  }
0x33: {  	_ =	swait.ge [sflag:s12], $0x4000  }
0x34: {  	s16 =	sadd.s32 $0x1, s16;
	[sflag:s12] =	ssyncset.done $0x0  }
0x35: {  	p0 =	sne.s32 s16, s10;
	[sflag:s12] =	ssyncadd.s32 $0xFFFFC000  }
.Ltmp1:
0x36: {  	[bflag:$0x0] =	sbarrier.arrive $0xFFFF;
	(pc) =	sbr.rel @p0 .LBB2_1-.Ltmp1, $4  }
0x37: {  	[hbm:s9], [sflag:s6] =	dma.local [spmem:s11], $0x2800  }
0x38: {  	_ =	swait.ge [sflag:s12], $0x2800  }
0x39: {  	[sflag:s12] =	ssyncset.done $0x0  }
0x3a: {  	[sflag:s12] =	ssyncadd.s32 $0xFFFFD800  }
0x3b: {  	_ =	sfence.sel $0x180000  }
0x3c: {  	[bflag:$0x0] =	sbarrier.arrive $0xFFFF  }
0x3d: {  	p0 =	sne.s32 s0, $0x0;
	_ =	strace $0x9000004A  }
0x3e: {  	s0 =	sadd.s32 @!p0 $0x100000, s2;
	[bflag:$0x2] =	sbarrier.arrive $0xFFFF  }
0x3f: {  	[sflag:s0] =	ssyncadd.tile.s32 @!p0 $0x1;
	_ =	shalt  }
.Lfunc_end2:
_tile_overlayer_lowered:
.L_overlay_start_2:
0x40: {  	(tag) =	ssettag $0x2  }
0x41: {  	s0 =	rddreg [dreg:$0x0];
	s2 =	stileid.u32  }
0x42: {  	s1 =	rddreg [dreg:$0x1];
	p0 =	sne.s32 s2, $0x0  }
0x43: {  	s3 =	rddreg [dreg:$0x2];
	[bflag:$0x3] =	sbarrier.arrive $0xFFFF;
	s2 =	simm.s32 @!p0 $0x1C01  }
0x44: {  	[timem:s3], [sflag:s2] =	dma.local @!p0 [hbm:s0], s1  }
0x45: {  	s0 =	simm.s32 @!p0 $0x1  }
0x46: {  	_ =	swait.ge @!p0 [sflag:s0], s1  }
0x47: {  	s1 =	ssub.s32 @!p0 $0x0, s1;
	[sflag:s0] =	ssyncset.done @!p0 $0x0  }
0x48: {  	[sflag:s0] =	ssyncadd.s32 @!p0 s1  }
0x49: {  	[bflag:$0x3] =	sbarrier.arrive $0xFFFF  }
0x4a: {  	_ =	shalt  }

// kernel: kernel.20.cloned.1.call-start
scs
__scs_entry_jumppad:
0x0: {  	(pc) =	sbr.rel $0x88, $3  }
0x1: {  	(tag) =	ssettag $0x0;
	lr =	simm.s32 $0x1  }
0x2: {  	[smem:$0x3F91] =	sst lr;
	_ =	strace $0xD0000000  }
0x3: {  	_ = 	snop  }
0x4: {  	_ = 	snop  }
0x5: {  	_ = 	snop  }
0x6: {  	_ = 	snop  }
0x7: {  	_ = 	snop  }
__scs_overlays_trampoline_lowered:
0x8: {  	[smem:$0x3FA0] =	sst s0  }
0x9: {  	[smem:$0x3FA1] =	sst s1  }
0xa: {  	[smem:$0x3FA2] =	sst s2  }
0xb: {  	[smem:$0x3FA3] =	sst s3  }
0xc: {  	[smem:$0x3FA4] =	sst s4  }
0xd: {  	[smem:$0x3FA5] =	sst s5  }
0xe: {  	[smem:$0x3FA6] =	sst s6  }
0xf: {  	[smem:$0x3FA7] =	sst s7  }
0x10: {  	[smem:$0x3FA8] =	sst s8  }
0x11: {  	[smem:$0x3FA9] =	sst s9;
	s0 =	simm.s32 @!p0 $0x0  }
0x12: {  	s1 =	sld [smem:$0x3F8F];
	s0 =	simm.s32 @p0 $0x1  }
0x13: {  	[smem:$0x3FAA] =	sst s0;
	s0 =	simm.s32 @!p1 $0x0  }
0x14: {  	s2 =	sld [smem:$0x3F8E];
	s0 =	simm.s32 @p1 $0x1  }
0x15: {  	[smem:$0x3FAB] =	sst s0;
	s0 =	simm.s32 @!p2 $0x0  }
0x16: {  	s3 =	sld [smem:$0x3FDB];
	s0 =	simm.s32 @p2 $0x1  }
0x17: {  	s4 =	simm.s32 $0x1BF5;
	[smem:$0x3FAD] =	sst s0  }
0x18: {  	s0 =	sld [smem:$0x3F90];
	_ =	swait.ge [sflag:s4], $0x0  }
0x19: {  	s7 =	sld [smem:$0x3F91]  }
0x1a: {  	s8 =	sadd.s32 $0xFFFFE003, lr  }
0x1b: {  	s9 =	sadd.s32 $0xFFFFFEF7, lr;
	s5 =	simm.s32 $0xFFFFFFFF;
	p2 =	slt.u32 s8, $0xFFFFF086  }
0x1c: {  	p1 =	slt.u32 s9, $0xF7A;
	s5 =	simm.s32 @!p2 $0x0  }
0x1d: {  	s5 =	simm.s32 @p1 $0x1;
	p0 =	seq.s32 s7, s2  }
0x1e: {  	s7 =	smul.u32 @!p0 $0xF7A, s2;
	p2 =	seq.s32 @!p0 s5, $0x0  }
0x1f: {  	s9 =	smul.u32 $0xF7A, s1;
	s8 =	simm.s32 @!p0 $0x1BF5;
	p2 =	por !p2, p0  }
0x20: {  	[sflag:s8] =	ssyncset.s32 @!p0 $0xFFFFF086;
	s6 =	sadd.s32 @!p0 s3, s7;
	s7 =	simm.s32 @!p0 $0x108  }
0x21: {  	s3 =	sadd.s32 s3, s9;
	s6 =	sadd.s32 @!p0 $0x88, s6;
	s7 =	simm.s32 @p2 $0x1082  }
0x22: {  	[simem:s7], [sflag:s8] =	dma.local @!p0 [hbm:s6], $0xF7A  }
0x23: {  	s9 =	sor.u32 $0xD0000000, s2;
	s6 =	simm.s32 $0x108;
	_ =	swait.ge @!p0 [sflag:s8], $0x0  }
0x24: {  	s3 =	sadd.s32 $0x88, s3;
	s6 =	simm.s32 @!p1 $0x1082;
	[sflag:s4] =	ssyncset.s32 $0xFFFFF086  }
0x25: {  	[simem:s6], [sflag:s4] =	dma.local [hbm:s3], $0xF7A  }
0x26: {  	[smem:$0x3F91] =	sst s1;
	(tag) =	ssettag s2;
	_ =	strace s9  }
0x27: {  	s1 =	sld [smem:$0x3FA1]  }
0x28: {  	s2 =	sld [smem:$0x3FA2]  }
0x29: {  	s4 =	sld [smem:$0x3FA4]  }
0x2a: {  	p0 =	seq.s32 s5, $0x0;
	s5 =	sld [smem:$0x3FA5]  }
0x2b: {  	s6 =	sld [smem:$0x3FA6]  }
0x2c: {  	s7 =	sld [smem:$0x3FA7]  }
0x2d: {  	s3 =	simm.s32 $0x108;
	s8 =	sld [smem:$0x3FA8]  }
0x2e: {  	s3 =	simm.s32 @!p0 $0x1082;
	s9 =	sld [smem:$0x3FA9]  }
0x2f: {  	lr =	sadd.s32 s0, s3;
	s0 =	sld [smem:$0x3FA0]  }
0x30: {  	s3 =	sld [smem:$0x3FA3]  }
0x31: {  	[smem:$0x3FAC] =	sst s10  }
0x32: {  	s10 =	sld [smem:$0x3FAA];
	_ =	sdelay $0x3  }
0x33: {  	p0 =	seq.s32 s10, $0x1;
	s10 =	sld [smem:$0x3FAC];
	_ =	sdelay $0x3  }
0x34: {  	[smem:$0x3FAC] =	sst s10  }
0x35: {  	s10 =	sld [smem:$0x3FAB];
	_ =	sdelay $0x3  }
0x36: {  	p1 =	seq.s32 s10, $0x1;
	s10 =	sld [smem:$0x3FAC];
	_ =	sdelay $0x3  }
0x37: {  	[smem:$0x3FAC] =	sst s10  }
0x38: {  	s10 =	sld [smem:$0x3FAD]  }
0x39: {  	_ = 	snop;
	(pc) =	sbr.ind lr, $3  }
0x3a: {  	_ = 	snop  }
0x3b: {  	_ = 	snop  }
0x3c: {  	p2 =	seq.s32 s10, $0x1;
	s10 =	sld [smem:$0x3FAC]  }
0x3d: {  	_ =	shalt  }
0x3e: {  	_ =	shalt  }
0x3f: {  	_ =	shalt  }
0x40: {  	_ =	shalt  }
0x41: {  	_ =	shalt  }
0x42: {  	_ =	shalt  }
0x43: {  	_ =	shalt  }
0x44: {  	_ =	shalt  }
0x45: {  	_ =	shalt  }
0x46: {  	_ =	shalt  }
0x47: {  	_ =	shalt  }
0x48: {  	_ =	shalt  }
0x49: {  	_ =	shalt  }
0x4a: {  	_ =	shalt  }
0x4b: {  	_ =	shalt  }
0x4c: {  	_ =	shalt  }
0x4d: {  	_ =	shalt  }
0x4e: {  	_ =	shalt  }
0x4f: {  	_ =	shalt  }
0x50: {  	_ =	shalt  }
0x51: {  	_ =	shalt  }
0x52: {  	_ =	shalt  }
0x53: {  	_ =	shalt  }
0x54: {  	_ =	shalt  }
0x55: {  	_ =	shalt  }
0x56: {  	_ =	shalt  }
0x57: {  	_ =	shalt  }
0x58: {  	_ =	shalt  }
0x59: {  	_ =	shalt  }
0x5a: {  	_ =	shalt  }
0x5b: {  	_ =	shalt  }
0x5c: {  	_ =	shalt  }
0x5d: {  	_ =	shalt  }
0x5e: {  	_ =	shalt  }
0x5f: {  	_ =	shalt  }
0x60: {  	_ =	shalt  }
0x61: {  	_ =	shalt  }
0x62: {  	_ =	shalt  }
0x63: {  	_ =	shalt  }
0x64: {  	_ =	shalt  }
0x65: {  	_ =	shalt  }
0x66: {  	_ =	shalt  }
0x67: {  	_ =	shalt  }
0x68: {  	_ =	shalt  }
0x69: {  	_ =	shalt  }
0x6a: {  	_ =	shalt  }
0x6b: {  	_ =	shalt  }
0x6c: {  	_ =	shalt  }
0x6d: {  	_ =	shalt  }
0x6e: {  	_ =	shalt  }
0x6f: {  	_ =	shalt  }
0x70: {  	_ =	shalt  }
0x71: {  	_ =	shalt  }
0x72: {  	_ =	shalt  }
0x73: {  	_ =	shalt  }
0x74: {  	_ =	shalt  }
0x75: {  	_ =	shalt  }
0x76: {  	_ =	shalt  }
0x77: {  	_ =	shalt  }
0x78: {  	_ =	shalt  }
0x79: {  	_ =	shalt  }
0x7a: {  	_ =	shalt  }
0x7b: {  	_ =	shalt  }
0x7c: {  	_ =	shalt  }
0x7d: {  	_ =	shalt  }
0x7e: {  	_ =	shalt  }
0x7f: {  	_ =	shalt  }
0x80: {  	_ =	shalt  }
0x81: {  	_ =	shalt  }
0x82: {  	_ =	shalt  }
0x83: {  	_ =	shalt  }
0x84: {  	_ =	shalt  }
0x85: {  	_ =	shalt  }
0x86: {  	_ =	shalt  }
0x87: {  	_ =	shalt  }
.Lfunc_end0:
.L_simem_size_0:
called_computation.2_lowered:
.L_overlay_start_0:
0x88: {  	s2 =	sld [smem:$0x3FD9]  }
0x89: {  	s3 =	sld [smem:$0x3FFE];
	_ =	sdelay $0x1  }
0x8a: {  	s1 =	srdreg.scid  }
0x8b: {  	s0 =	sand.u32 $0x1, s1  }
0x8c: {  	s14 =	sshll.u32 s0, $0xA;
	s2 =	sadd.s32 s3, s2  }
0x8d: {  	s2 =	sadd.s32 s2, s14  }
0x8e: {  	[smem:$0x3FB8] =	sst s2  }
0x8f: {  	_ = 	snop  }
0x90: {  	s2 =	sld [smem:$0x3FD0];
	_ =	sdelay $0x2  }
0x91: {  	s15 =	simm.s32 $0xA;
	s4 =	simm.s32 $0x10  }
0x92: {  	[smem:s4], [sflag:s15] =	dma.local [hbm:s2], $0x1  }
0x93: {  	_ =	swait.eq [sflag:s15], $0x1  }
0x94: {  	[sflag:s15] =	ssyncset.done $0x0  }
0x95: {  	s16 =	sld [smem:$0x10];
	[sflag:s15] =	ssyncadd.s32 $0xFFFFFFFF  }
0x96: {  	s17 =	sld [smem:$0x11];
	(tm) =	ssettm $0x1  }
0x97: {  	s18 =	sld [smem:$0x3FFB];
	_ =	sdelay $0x3  }
0x98: {  	_ =	strace s18  }
0x99: {  	s4 =	sld [smem:$0x3FFC];
	_ =	sdelay $0x3  }
0x9a: {  	_ =	strace s4  }
0x9b: {  	s4 =	sld [smem:$0x3FFD];
	_ =	sdelay $0x3  }
0x9c: {  	_ =	strace s4  }
0x9d: {  	_ =	strace $0x8FFFFFFF  }
0x9e: {  	s19 =	sld [smem:$0x3FDB];
	_ =	sdelay $0x1  }
0x9f: {  	s5 =	simm.s32 $_scs_section_size  }
0xa0: {  	s6 =	simm.s32 $_size__tile_overlayer_lowered;
	s7 =	simm.s32 $_tile_overlayer_lowered  }
0xa1: {  	s22 =	simm.s32 $0x1BFF;
	s21 =	sshll.u32 s7, $0x1;
	s4 =	sadd.s32 s5, s19  }
0xa2: {  	s8 =	simm.s32 $0x0;
	s20 =	sshll.u32 s6, $0x1;
	s6 =	sadd.s32 s21, s4  }
0xa3: {  	[timem:s8], [sflag:s22] =	dma.local [hbm:s6], s20  }
0xa4: {  	_ =	swait.ge [sflag:s22], s20  }
0xa5: {  	s5 =	ssub.s32 $0x0, s20;
	[sflag:s22] =	ssyncset.done $0x0  }
0xa6: {  	[sflag:s22] =	ssyncadd.s32 s5;
	_ =	sdelay $0x1  }
0xa7: {  	s23 =	simm.s32 $0x1B8B  }
0xa8: {  	_ =	swait.ge [sflag:s23], $0x1  }
0xa9: {  	[sflag:s23] =	ssyncset.done $0x0  }
0xaa: {  	s25 =	simm.s32 $0x1B8E;
	s24 =	sld [smem:$0x3FFE];
	[sflag:s23] =	ssyncadd.s32 $0xFFFFFFFF  }
0xab: {  	s26 =	simm.s32 $execute0_lowered;
	[smem:$0x3FD2] =	sst s25  }
0xac: {  	s6 =	sshll.u32 s26, $0x1;
	_ =	strace $0x8000004C;
	[dreg:$0x1] =	wrdreg $0xFFFFFFFF  }
0xad: {  	s28 =	simm.s32 $_size_execute0_lowered;
	s4 =	sadd.s32 s4, s6;
	[dreg:$0x0] =	wrdreg $0x0  }
0xae: {  	s6 =	sshll.u32 s28, $0x1;
	[dreg:$0x2] =	wrdreg s4  }
0xaf: {  	[dreg:$0x3] =	wrdreg s6  }
0xb0: {  	[dreg:$0x4] =	wrdreg $0xC0  }
0xb1: {  	_ =	task [dreg:s8], $0x5FFFF  }
0xb2: {  	[dreg:$0x1] =	wrdreg $0xFFFFFFFF  }
0xb3: {  	[dreg:$0x0] =	wrdreg $0x60  }
0xb4: {  	[dreg:$0x2] =	wrdreg s17  }
0xb5: {  	[dreg:$0x3] =	wrdreg s16  }
0xb6: {  	[dreg:$0x4] =	wrdreg s24  }
0xb7: {  	[dreg:$0x5] =	wrdreg $0x90000  }
0xb8: {  	[dreg:$0x6] =	wrdreg $0x9  }
0xb9: {  	_ =	task.clear_ibuf [dreg:s8], $0x7FFFF;
	_ =	strace $0x9000004C  }
0xba: {  	s29 =	simm.s32 $0x9;
	_ =	strace $0x8000004E  }
0xbb: {  	_ =	swait.ge [sflag:s29], $0x1  }
0xbc: {  	[sflag:s29] =	ssyncadd.s32 $0xFFFFFFFF  }
0xbd: {  	_ =	strace $0x9000004E  }
0xbe: {  	_ =	sfence  }
0xbf: {  	s30 =	sld [smem:$0x0];
	_ =	sdelay $0x2  }
0xc0: {  	s31 =	sshll.u32 s1, $0xD;
	s1 =	sshrl.u32 s1, $0x2  }
0xc1: {  	s3 =	sand.u32 $0x4000, s31;
	s1 =	sadd.s32 s1, s30  }
0xc2: {  	s0 =	sor.u32 s3, s0;
	s1 =	sshll.u32 s1, $0x11  }
0xc3: {  	s0 =	sor.u32 s1, s0  }
0xc4: {  	s0 =	sadd.s32 $0x8F2B, s0  }
0xc5: {  	[sflag:s0] =	ssyncadd.remote.s32 $0x1  }
0xc6: {  	_ =	sfence.sel $0xFFFF  }
0xc7: {  	[dreg:$0x0] =	wrdreg $0xFFFFFFFF;
	(pc) =	sbr.abs _section_cstart, $3  }
0xc8: {  	[dreg:$0x1] =	wrdreg $0xFFFFFFFF  }
0xc9: {  	_ =	task.clear_ibuf [dreg:s8], $0x2FFFF;
	_ =	strace $0x9FFFFFFF  }
0xca: {  	(tm) =	ssettm $0x7FFFFFFF  }
0xcb: {  	_ =	shalt  }
tec
execute0_lowered:
.L_overlay_start_1:
0x0: {  	(tag) =	ssettag $0x1  }
0x1: {  	s1 =	rddreg [dreg:$0x0]  }
0x2: {  	s7 =	rddreg [dreg:$0x1]  }
0x3: {  	s2 =	srdreg.scid;
	s6 =	rddreg [dreg:$0x2]  }
0x4: {  	s0 =	stileid.u32;
	s3 =	rddreg [dreg:$0x3]  }
0x5: {  	s4 =	simm.s32 $0x0;
	s14 =	simm.s32 $0x80;
	s15 =	simm.s32 $0x5000  }
0x6: {  	s16 =	simm.s32 $0x0;
	s5 =	sand.u32 $0x1, s2;
	s10 =	smul.u32 $0x14000, s0  }
0x7: {  	s26 =	sshll.u32 s0, $0x1;
	[smem:$0x7FF] =	sst s4;
	s12 =	smul.u32 $0x50000, s0  }
0x8: {  	s31 =	sshll.u32 s0, $0x6;
	s2 =	sor.u32 s5, s26;
	s9 =	smul.u32 $0x140000, s5  }
0x9: {  	s28 =	ssub.s32 $0x2, s5;
	s5 =	sadd.s32 $0xE400, s6;
	s8 =	smul.u32 $0x500, s2  }
0xa: {  	s2 =	rddreg [dreg:$0x4];
	_ =	strace $0x8000004D;
	s29 =	sshrl.u32 s28, $0x1  }
0xb: {  	s30 =	sshrl.u32 s12, $0x2;
	s12 =	simm.s32 $0x1;
	s9 =	sadd.s32 s10, s9  }
0xc: {  	s10 =	ssub.s32 s28, s29;
	s13 =	sadd.s32 s30, s3;
	s11 =	sadd.s32 s8, s6  }
0xd: {  	s9 =	sshrl.u32 s9, $0x3;
	s7 =	sadd.s32 s7, s8;
	s10 =	smax.u32 s10, $0x1  }
0xe: {  	s9 =	sadd.s32 s9, s6;
	s6 =	sor.u32 $0x1C01, s31;
	s8 =	sadd.s32 $0x4400, s11  }
0xf: {  	s11 =	sshrl.u32 s13, $0x3;
	s13 =	simm.s32 $0x2800;
	s9 =	sadd.s32 $0x10C00, s9  }
.LBB2_1:
0x10: {  	[spmem:s11], [sflag:s6] =	dma.local [hbm:s5], $0x2800  }
0x11: {  	_ =	swait.ge [sflag:s12], $0x2800  }
0x12: {  	[sflag:s12] =	ssyncset.done $0x0  }
0x13: {  	[sflag:s12] =	ssyncadd.s32 $0xFFFFD800  }
0x14: {  	[tilespmem:s4], [sflag:$0x1] =	stream.linear.gather [hbm4b:s7+s4], $0x2780, $0x38;
	[tilespmem:$0x1D000] =	vst v63  }
0x15: {  	_ =	swait.ge [sflag:s12], $0x2780  }
0x16: {  	[sflag:s12] =	ssyncset.done $0x0  }
0x17: {  	[sflag:s12] =	ssyncadd.s32 $0xFFFFD880  }
0x18: {  	[tilespmem:s13], [sflag:$0x1] =	stream.linear.gather [hbm4b:s8+s4], $0x2780, $0x38;
	[tilespmem:$0x1D000] =	vst v63  }
0x19: {  	_ =	swait.ge [sflag:s12], $0x2780  }
0x1a: {  	[sflag:s12] =	ssyncset.done $0x0  }
0x1b: {  	[sflag:s12] =	ssyncadd.s32 $0xFFFFD880  }
0x1c: {  	s17 =	simm.s32 $0x0;
	[bflag:$0x0] =	sbarrier.arrive $0xFFFF  }
0x1d: {  	[tilespmem:s15], [sflag:$0x1] =	stream.indirect.gather [hbm4b:s1+s14], $0x80, s17, s14, $0xb8;
	[tilespmem:$0x1D000] =	vst v63  }
0x1e: {  	_ =	swait.ge [sflag:s12], $0x4000  }
0x1f: {  	[sflag:s12] =	ssyncset.done $0x0  }
0x20: {  	s31 =	simm.s32 $0x2800;
	[sflag:s12] =	ssyncadd.s32 $0xFFFFC000  }
0x21: {  	[spmem:s3] =	stream.indirect.scatter.add.f32 [tilespmem:s15], [sflag:$0x1], $0x80, s31, s14, $0xb8;
	[tilespmem:$0x1D000] =	vst v63  }
0x22: {  	_ =	swait.ge [sflag:s12], $0x4000  }
0x23: {  	s18 =	simm.s32 $0x400;
	s17 =	simm.s32 $0x200;
	[sflag:s12] =	ssyncset.done $0x0  }
.LBB2_2:
0x24: {  	s19 =	sshra.s32 s17, $0x2  }
0x25: {  	[sflag:s12] =	ssyncadd.s32 $0xFFFFC000;
	s17 =	smov.u32 s18;
	s20 =	sadd.s32 $0x200, s18  }
0x26: {  	[tilespmem:s15], [sflag:$0x1] =	stream.indirect.gather [hbm4b:s1+s14], $0x80, s19, s14, $0xb8;
	[tilespmem:$0x1D000] =	vst v63  }
0x27: {  	p0 =	sne.s32 s18, $0x9C00;
	_ =	swait.ge [sflag:s12], $0x4000  }
.Ltmp0:
0x28: {  	[sflag:s12] =	ssyncset.done $0x0;
	(pc) =	sbr.rel @p0 .LBB2_2-.Ltmp0, $4  }
0x29: {  	s18 =	sadd.s32 $0x2800, s19;
	[sflag:s12] =	ssyncadd.s32 $0xFFFFC000  }
0x2a: {  	[spmem:s3] =	stream.indirect.scatter.add.f32 [tilespmem:s15], [sflag:$0x1], $0x80, s18, s14, $0xb8;
	[tilespmem:$0x1D000] =	vst v63  }
0x2b: {  	_ =	swait.ge [sflag:s12], $0x4000  }
0x2c: {  	s18 =	smov.u32 s20;
	[sflag:s12] =	ssyncset.done $0x0  }
0x2d: {  	s17 =	sshra.s32 s17, $0x2;
	[sflag:s12] =	ssyncadd.s32 $0xFFFFC000  }
0x2e: {  	[tilespmem:s15], [sflag:$0x1] =	stream.indirect.gather [hbm4b:s1+s14], $0x80, s17, s14, $0xb8;
	[tilespmem:$0x1D000] =	vst v63  }
0x2f: {  	_ =	swait.ge [sflag:s12], $0x4000  }
0x30: {  	[sflag:s12] =	ssyncset.done $0x0  }
0x31: {  	s17 =	sadd.s32 $0x2800, s17;
	[sflag:s12] =	ssyncadd.s32 $0xFFFFC000  }
0x32: {  	[spmem:s3] =	stream.indirect.scatter.add.f32 [tilespmem:s15], [sflag:$0x1], $0x80, s17, s14, $0xb8;
	[tilespmem:$0x1D000] =	vst v63  }
0x33: {  	_ =	swait.ge [sflag:s12], $0x4000  }
0x34: {  	s16 =	sadd.s32 $0x1, s16;
	[sflag:s12] =	ssyncset.done $0x0  }
0x35: {  	p0 =	sne.s32 s16, s10;
	[sflag:s12] =	ssyncadd.s32 $0xFFFFC000  }
.Ltmp1:
0x36: {  	[bflag:$0x0] =	sbarrier.arrive $0xFFFF;
	(pc) =	sbr.rel @p0 .LBB2_1-.Ltmp1, $4  }
0x37: {  	[hbm:s9], [sflag:s6] =	dma.local [spmem:s11], $0x2800  }
0x38: {  	_ =	swait.ge [sflag:s12], $0x2800  }
0x39: {  	[sflag:s12] =	ssyncset.done $0x0  }
0x3a: {  	[sflag:s12] =	ssyncadd.s32 $0xFFFFD800  }
0x3b: {  	_ =	sfence.sel $0x180000  }
0x3c: {  	[bflag:$0x0] =	sbarrier.arrive $0xFFFF  }
0x3d: {  	p0 =	sne.s32 s0, $0x0;
	_ =	strace $0x9000004D  }
0x3e: {  	s0 =	sadd.s32 @!p0 $0x100000, s2;
	[bflag:$0x2] =	sbarrier.arrive $0xFFFF  }
0x3f: {  	[sflag:s0] =	ssyncadd.tile.s32 @!p0 $0x1;
	_ =	shalt  }
.Lfunc_end2:
_tile_overlayer_lowered:
.L_overlay_start_2:
0x40: {  	(tag) =	ssettag $0x2  }
0x41: {  	s0 =	rddreg [dreg:$0x0];
	s2 =	stileid.u32  }
0x42: {  	s1 =	rddreg [dreg:$0x1];
	p0 =	sne.s32 s2, $0x0  }
0x43: {  	s3 =	rddreg [dreg:$0x2];
	[bflag:$0x3] =	sbarrier.arrive $0xFFFF;
	s2 =	simm.s32 @!p0 $0x1C01  }
0x44: {  	[timem:s3], [sflag:s2] =	dma.local @!p0 [hbm:s0], s1  }
0x45: {  	s0 =	simm.s32 @!p0 $0x1  }
0x46: {  	_ =	swait.ge @!p0 [sflag:s0], s1  }
0x47: {  	s1 =	ssub.s32 @!p0 $0x0, s1;
	[sflag:s0] =	ssyncset.done @!p0 $0x0  }
0x48: {  	[sflag:s0] =	ssyncadd.s32 @!p0 s1  }
0x49: {  	[bflag:$0x3] =	sbarrier.arrive $0xFFFF  }
0x4a: {  	_ =	shalt  }

</sc_bundles>
